<compile_context>
chip_gen: v7x
topology: tpu7x:2x2x1
jax: 0.10.2.dev20260603
libtpu: 0.0.44.dev20260713+nightly
codegen_flags: <defaults>
</compile_context>

<pallas_src>
import functools

import jax
import jax.numpy as jnp
from jax import lax
from jax.experimental import pallas as pl
from jax.experimental.pallas import tpu as pltpu
from jax.experimental.pallas import tpu_sc as plsc

N = 16384
D = 64
L = 16
NC = 2
NS = 16
NW = NC * NS
R = N // NW
NG = R // L

_mesh = plsc.VectorSubcoreMesh(core_axis_name="c", subcore_axis_name="s")


@functools.partial(
    pl.kernel,
    out_type=jax.ShapeDtypeStruct((N,), jnp.float32),
    mesh=_mesh,
    compiler_params=pltpu.CompilerParams(needs_layout_passes=False),
    scratch_types=[
        pltpu.VMEM((D, R), jnp.float32),
        pltpu.VMEM((R,), jnp.float32),
        pltpu.VMEM((1, D), jnp.float32),
        pltpu.SemaphoreType.DMA,
        pltpu.SemaphoreType.DMA,
        pltpu.SemaphoreType.DMA,
    ],
)
def _sc_matvec(user_hbm, items_t_hbm, out_hbm, buf, out_v, u_v,
               sem_in0, sem_in1, sem_u):
    wid = lax.axis_index("s") * NC + lax.axis_index("c")
    base = wid * R
    H = D // 2

    ucp = pltpu.async_copy(user_hbm, u_v, sem_u)
    icp0 = pltpu.async_copy(items_t_hbm.at[pl.ds(0, H), pl.ds(base, R)],
                            buf.at[pl.ds(0, H), :], sem_in0)
    icp1 = pltpu.async_copy(items_t_hbm.at[pl.ds(H, H), pl.ds(base, R)],
                            buf.at[pl.ds(H, H), :], sem_in1)
    ucp.wait()

    dnums = lax.GatherDimensionNumbers(
        offset_dims=(), collapsed_slice_dims=(0,), start_index_map=(0,))
    zero = lax.broadcast(jnp.float32(0), (L,))

    def col_body(c, accs):
        c16 = (c // L) * L
        uvec = u_v[0, pl.ds(c16, L)]
        idx = lax.broadcast(c - c16, (L,))
        bc = lax.gather(uvec, idx.reshape(L, 1), dnums, (1,),
                        mode=lax.GatherScatterMode.PROMISE_IN_BOUNDS)
        return tuple(accs[g] + bc * buf[c, pl.ds(g * L, L)]
                     for g in range(NG))

    icp0.wait()
    accs = lax.fori_loop(0, H, col_body, (zero,) * NG)
    icp1.wait()
    accs = lax.fori_loop(H, D, col_body, accs)
    for g in range(NG):
        out_v[pl.ds(g * L, L)] = accs[g]

    pltpu.sync_copy(out_v, out_hbm.at[pl.ds(base, R)])


def kernel(user_emb, items_emb):
    return _sc_matvec(user_emb, items_emb.T)

# --- scband reference (transcript-rebuilt; emitter-appended) ---
"""Pipeline reference for scband-pip-attack-eb-32289564131808 (READ-ONLY COPY).

The authoritative reference and input builder live on the scoring server;
editing this copy changes nothing except your own understanding.
"""

import jax, jax.numpy as jnp
import numpy as np


def setup_inputs(seed: int = 0) -> dict:
    key = jax.random.key(seed)
    k1, k2 = jax.random.split(key)
    user_emb = jax.random.normal(k1, (1, 64), dtype=jnp.float32)
    items_emb = jax.random.normal(k2, (16384, 64), dtype=jnp.float32)
    return {"user_emb": user_emb, "items_emb": items_emb}


def reference(user_emb, items_emb):
    # scores = torch.sum(user_emb * items_emb, dim=-1)
    scores = jnp.sum(user_emb * items_emb, axis=-1)
    return scores

if __name__ == "__main__":
    import jax
    _d = setup_inputs()
    print(jax.jit(kernel)(*tuple(_d.values())))

</pallas_src>

<mosaic_0001>
#map = affine_map<(d0, d1) -> (0, 0)>
#map1 = affine_map<(d0, d1) -> (0)>
module attributes {stable_mosaic.version = 14 : i64} {
  func.func @_sc_matvec(%arg0: i32, %arg1: i32, %arg2: memref<1x64xf32, #tpu.memory_space<hbm>>, %arg3: memref<64x16384xf32, #tpu.memory_space<hbm>>, %arg4: memref<16384xf32, #tpu.memory_space<hbm>>, %arg5: memref<64x512xf32, #tpu.memory_space<vmem>>, %arg6: memref<512xf32, #tpu.memory_space<vmem>>, %arg7: memref<1x64xf32, #tpu.memory_space<vmem>>, %arg8: memref<!tpu.dma_semaphore, #tpu.memory_space<semaphore_mem>>, %arg9: memref<!tpu.dma_semaphore, #tpu.memory_space<semaphore_mem>>, %arg10: memref<!tpu.dma_semaphore, #tpu.memory_space<semaphore_mem>>) attributes {dimension_semantics = [#tpu.dimension_semantics<core_parallel>, #tpu.dimension_semantics<subcore_parallel>], iteration_bounds = array<i64: 2, 16>, scalar_prefetch = 0 : i64, scratch_operands = 6 : i64, tpu.core_type = #tpu.core_type<sc_vector_subcore>, window_params = [{transform_indices = #map}, {transform_indices = #map}, {transform_indices = #map1}]} {
    %mul3A = arith.constant 2 : i32
    %mul3A_0 = arith.muli %arg1, %mul3A : i32
    %add3A = arith.addi %mul3A_0, %arg0 : i32
    %mul3A_1 = arith.constant 512 : i32
    %mul3A_2 = arith.muli %add3A, %mul3A_1 : i32
    tpu.enqueue_dma source(%arg2 : memref<1x64xf32, #tpu.memory_space<hbm>>) target(%arg7 : memref<1x64xf32, #tpu.memory_space<vmem>>) target_semaphore(%arg10 : memref<!tpu.dma_semaphore, #tpu.memory_space<semaphore_mem>>)
    %dma_start3A = arith.constant 0 : i32
    %dma_start3A_3 = arith.constant 0 : i32
    %dma_start3A_4 = tpu.memref_slice %arg5[%dma_start3A, %dma_start3A_3] : memref<64x512xf32, #tpu.memory_space<vmem>> -> memref<32x512xf32, #tpu.memory_space<vmem>>
    %dma_start3A_5 = arith.constant 0 : i32
    %dma_start3A_6 = tpu.memref_slice %arg3[%dma_start3A_5, %mul3A_2] : memref<64x16384xf32, #tpu.memory_space<hbm>> -> memref<32x512xf32, #tpu.memory_space<hbm>>
    %dma_start3A_7 = arith.constant 0 : i32
    %dma_start3A_8 = arith.constant 0 : i32
    %dma_start3A_9 = tpu.memref_slice %arg5[%dma_start3A_7, %dma_start3A_8] : memref<64x512xf32, #tpu.memory_space<vmem>> -> memref<32x512xf32, #tpu.memory_space<vmem>>
    %dma_start3A_10 = arith.constant 0 : i32
    %dma_start3A_11 = tpu.memref_slice %arg3[%dma_start3A_10, %mul3A_2] : memref<64x16384xf32, #tpu.memory_space<hbm>> -> memref<32x512xf32, #tpu.memory_space<hbm>>
    tpu.enqueue_dma source(%dma_start3A_11 : memref<32x512xf32, #tpu.memory_space<hbm>>) target(%dma_start3A_9 : memref<32x512xf32, #tpu.memory_space<vmem>>) target_semaphore(%arg8 : memref<!tpu.dma_semaphore, #tpu.memory_space<semaphore_mem>>)
    %dma_start3A_12 = arith.constant 32 : i32
    %dma_start3A_13 = arith.constant 0 : i32
    %dma_start3A_14 = tpu.memref_slice %arg5[%dma_start3A_12, %dma_start3A_13] : memref<64x512xf32, #tpu.memory_space<vmem>> -> memref<32x512xf32, #tpu.memory_space<vmem>>
    %dma_start3A_15 = arith.constant 32 : i32
    %dma_start3A_16 = tpu.memref_slice %arg3[%dma_start3A_15, %mul3A_2] : memref<64x16384xf32, #tpu.memory_space<hbm>> -> memref<32x512xf32, #tpu.memory_space<hbm>>
    %dma_start3A_17 = arith.constant 32 : i32
    %dma_start3A_18 = arith.constant 0 : i32
    %dma_start3A_19 = tpu.memref_slice %arg5[%dma_start3A_17, %dma_start3A_18] : memref<64x512xf32, #tpu.memory_space<vmem>> -> memref<32x512xf32, #tpu.memory_space<vmem>>
    %dma_start3A_20 = arith.constant 32 : i32
    %dma_start3A_21 = tpu.memref_slice %arg3[%dma_start3A_20, %mul3A_2] : memref<64x16384xf32, #tpu.memory_space<hbm>> -> memref<32x512xf32, #tpu.memory_space<hbm>>
    tpu.enqueue_dma source(%dma_start3A_21 : memref<32x512xf32, #tpu.memory_space<hbm>>) target(%dma_start3A_19 : memref<32x512xf32, #tpu.memory_space<vmem>>) target_semaphore(%arg9 : memref<!tpu.dma_semaphore, #tpu.memory_space<semaphore_mem>>)
    tpu.wait_dma2 semaphore(%arg10 : memref<!tpu.dma_semaphore, #tpu.memory_space<semaphore_mem>>) src(%arg2 : memref<1x64xf32, #tpu.memory_space<hbm>>) dst(%arg7 : memref<1x64xf32, #tpu.memory_space<vmem>>)
    %broadcast_in_dim3A = arith.constant 0.000000e+00 : f32
    %broadcast_in_dim3A_22 = vector.broadcast %broadcast_in_dim3A : f32 to vector<16xf32>
    %dma_wait3A = arith.constant 0 : i32
    %dma_wait3A_23 = arith.constant 0 : i32
    %dma_wait3A_24 = tpu.memref_slice %arg5[%dma_wait3A, %dma_wait3A_23] : memref<64x512xf32, #tpu.memory_space<vmem>> -> memref<32x512xf32, #tpu.memory_space<vmem>>
    %dma_wait3A_25 = arith.constant 0 : i32
    %dma_wait3A_26 = tpu.memref_slice %arg3[%dma_wait3A_25, %mul3A_2] : memref<64x16384xf32, #tpu.memory_space<hbm>> -> memref<32x512xf32, #tpu.memory_space<hbm>>
    %dma_wait3A_27 = arith.constant 0 : i32
    %dma_wait3A_28 = arith.constant 0 : i32
    %dma_wait3A_29 = tpu.memref_slice %arg5[%dma_wait3A_27, %dma_wait3A_28] : memref<64x512xf32, #tpu.memory_space<vmem>> -> memref<32x512xf32, #tpu.memory_space<vmem>>
    %dma_wait3A_30 = arith.constant 0 : i32
    %dma_wait3A_31 = tpu.memref_slice %arg3[%dma_wait3A_30, %mul3A_2] : memref<64x16384xf32, #tpu.memory_space<hbm>> -> memref<32x512xf32, #tpu.memory_space<hbm>>
    tpu.wait_dma2 semaphore(%arg8 : memref<!tpu.dma_semaphore, #tpu.memory_space<semaphore_mem>>) src(%dma_wait3A_31 : memref<32x512xf32, #tpu.memory_space<hbm>>) dst(%dma_wait3A_29 : memref<32x512xf32, #tpu.memory_space<vmem>>)
    %scan3A = arith.constant 0 : i32
    %scan3A_32 = arith.constant 32 : i32
    %scan3A_33 = arith.addi %scan3A, %scan3A_32 : i32
    %scan3A_34 = arith.constant 1 : i32
    %scan3A_35:32 = scf.for %scan3A_116 = %scan3A to %scan3A_33 step %scan3A_34 iter_args(%scan3A_117 = %broadcast_in_dim3A_22, %scan3A_118 = %broadcast_in_dim3A_22, %scan3A_119 = %broadcast_in_dim3A_22, %scan3A_120 = %broadcast_in_dim3A_22, %scan3A_121 = %broadcast_in_dim3A_22, %scan3A_122 = %broadcast_in_dim3A_22, %scan3A_123 = %broadcast_in_dim3A_22, %scan3A_124 = %broadcast_in_dim3A_22, %scan3A_125 = %broadcast_in_dim3A_22, %scan3A_126 = %broadcast_in_dim3A_22, %scan3A_127 = %broadcast_in_dim3A_22, %scan3A_128 = %broadcast_in_dim3A_22, %scan3A_129 = %broadcast_in_dim3A_22, %scan3A_130 = %broadcast_in_dim3A_22, %scan3A_131 = %broadcast_in_dim3A_22, %scan3A_132 = %broadcast_in_dim3A_22, %scan3A_133 = %broadcast_in_dim3A_22, %scan3A_134 = %broadcast_in_dim3A_22, %scan3A_135 = %broadcast_in_dim3A_22, %scan3A_136 = %broadcast_in_dim3A_22, %scan3A_137 = %broadcast_in_dim3A_22, %scan3A_138 = %broadcast_in_dim3A_22, %scan3A_139 = %broadcast_in_dim3A_22, %scan3A_140 = %broadcast_in_dim3A_22, %scan3A_141 = %broadcast_in_dim3A_22, %scan3A_142 = %broadcast_in_dim3A_22, %scan3A_143 = %broadcast_in_dim3A_22, %scan3A_144 = %broadcast_in_dim3A_22, %scan3A_145 = %broadcast_in_dim3A_22, %scan3A_146 = %broadcast_in_dim3A_22, %scan3A_147 = %broadcast_in_dim3A_22, %scan3A_148 = %broadcast_in_dim3A_22) -> (vector<16xf32>, vector<16xf32>, vector<16xf32>, vector<16xf32>, vector<16xf32>, vector<16xf32>, vector<16xf32>, vector<16xf32>, vector<16xf32>, vector<16xf32>, vector<16xf32>, vector<16xf32>, vector<16xf32>, vector<16xf32>, vector<16xf32>, vector<16xf32>, vector<16xf32>, vector<16xf32>, vector<16xf32>, vector<16xf32>, vector<16xf32>, vector<16xf32>, vector<16xf32>, vector<16xf32>, vector<16xf32>, vector<16xf32>, vector<16xf32>, vector<16xf32>, vector<16xf32>, vector<16xf32>, vector<16xf32>, vector<16xf32>)  : i32 {
      %jit3A = arith.constant 16 : i32
      %div3A = arith.divsi %scan3A_116, %jit3A : i32
      %sign3A = arith.constant 0 : i32
      %sign3A_149 = arith.cmpi sgt, %scan3A_116, %sign3A : i32
      %sign3A_150 = arith.extui %sign3A_149 : i1 to i32
      %sign3A_151 = arith.constant 0 : i32
      %sign3A_152 = arith.cmpi slt, %scan3A_116, %sign3A_151 : i32
      %sign3A_153 = arith.extui %sign3A_152 : i1 to i32
      %sign3A_154 = arith.subi %sign3A_150, %sign3A_153 : i32
      %sign3A_155 = arith.constant 0 : i32
      %sign3A_156 = arith.cmpi sgt, %jit3A, %sign3A_155 : i32
      %sign3A_157 = arith.extui %sign3A_156 : i1 to i32
      %sign3A_158 = arith.constant 0 : i32
      %sign3A_159 = arith.cmpi slt, %jit3A, %sign3A_158 : i32
      %sign3A_160 = arith.extui %sign3A_159 : i1 to i32
      %sign3A_161 = arith.subi %sign3A_157, %sign3A_160 : i32
      %ne3A = arith.cmpi ne, %sign3A_154, %sign3A_161 : i32
      %rem3A = arith.remsi %scan3A_116, %jit3A : i32
      %ne3A_162 = arith.constant 0 : i32
      %ne3A_163 = arith.cmpi ne, %rem3A, %ne3A_162 : i32
      %and3A = arith.andi %ne3A, %ne3A_163 : i1
      %sub3A = arith.constant 1 : i32
      %sub3A_164 = arith.subi %div3A, %sub3A : i32
      %select_n3A = arith.select %and3A, %sub3A_164, %div3A : i32
      %mul3A_165 = arith.constant 16 : i32
      %mul3A_166 = arith.muli %select_n3A, %mul3A_165 : i32
      %get3A = arith.constant 0 : i32
      %get3A_167 = arith.index_cast %get3A : i32 to index
      %get3A_168 = arith.index_cast %mul3A_166 : i32 to index
      %get3A_169 = tpu.vector_load %arg7[%get3A_167, %get3A_168] {strides = array<i32>} : memref<1x64xf32, #tpu.memory_space<vmem>>, vector<16xf32>,
      %sub3A_170 = arith.subi %scan3A_116, %mul3A_166 : i32
      %broadcast_in_dim3A_171 = vector.broadcast %sub3A_170 : i32 to vector<16xi32>
      %reshape3A = vector.shape_cast %broadcast_in_dim3A_171 : vector<16xi32> to vector<16x1xi32>
      %gather3A = vector.shape_cast %reshape3A : vector<16x1xi32> to vector<16xi32>
      %gather3A_172 = tpu.dynamic_gather %get3A_169[%gather3A] in [0] : vector<16xf32>, vector<16xi32> -> vector<16xf32>
      %get3A_173 = arith.index_cast %scan3A_116 : i32 to index
      %get3A_174 = arith.constant 0 : index
      %get3A_175 = tpu.vector_load %arg5[%get3A_173, %get3A_174] {strides = array<i32>} : memref<64x512xf32, #tpu.memory_space<vmem>>, vector<16xf32>,
      %mul3A_176 = arith.mulf %gather3A_172, %get3A_175 : vector<16xf32>
      %add3A_177 = arith.addf %scan3A_117, %mul3A_176 : vector<16xf32>
      %get3A_178 = arith.index_cast %scan3A_116 : i32 to index
      %get3A_179 = arith.constant 16 : index
      %get3A_180 = tpu.vector_load %arg5[%get3A_178, %get3A_179] {strides = array<i32>} : memref<64x512xf32, #tpu.memory_space<vmem>>, vector<16xf32>,
      %mul3A_181 = arith.mulf %gather3A_172, %get3A_180 : vector<16xf32>
      %add3A_182 = arith.addf %scan3A_118, %mul3A_181 : vector<16xf32>
      %get3A_183 = arith.index_cast %scan3A_116 : i32 to index
      %get3A_184 = arith.constant 32 : index
      %get3A_185 = tpu.vector_load %arg5[%get3A_183, %get3A_184] {strides = array<i32>} : memref<64x512xf32, #tpu.memory_space<vmem>>, vector<16xf32>,
      %mul3A_186 = arith.mulf %gather3A_172, %get3A_185 : vector<16xf32>
      %add3A_187 = arith.addf %scan3A_119, %mul3A_186 : vector<16xf32>
      %get3A_188 = arith.index_cast %scan3A_116 : i32 to index
      %get3A_189 = arith.constant 48 : index
      %get3A_190 = tpu.vector_load %arg5[%get3A_188, %get3A_189] {strides = array<i32>} : memref<64x512xf32, #tpu.memory_space<vmem>>, vector<16xf32>,
      %mul3A_191 = arith.mulf %gather3A_172, %get3A_190 : vector<16xf32>
      %add3A_192 = arith.addf %scan3A_120, %mul3A_191 : vector<16xf32>
      %get3A_193 = arith.index_cast %scan3A_116 : i32 to index
      %get3A_194 = arith.constant 64 : index
      %get3A_195 = tpu.vector_load %arg5[%get3A_193, %get3A_194] {strides = array<i32>} : memref<64x512xf32, #tpu.memory_space<vmem>>, vector<16xf32>,
      %mul3A_196 = arith.mulf %gather3A_172, %get3A_195 : vector<16xf32>
      %add3A_197 = arith.addf %scan3A_121, %mul3A_196 : vector<16xf32>
      %get3A_198 = arith.index_cast %scan3A_116 : i32 to index
      %get3A_199 = arith.constant 80 : index
      %get3A_200 = tpu.vector_load %arg5[%get3A_198, %get3A_199] {strides = array<i32>} : memref<64x512xf32, #tpu.memory_space<vmem>>, vector<16xf32>,
      %mul3A_201 = arith.mulf %gather3A_172, %get3A_200 : vector<16xf32>
      %add3A_202 = arith.addf %scan3A_122, %mul3A_201 : vector<16xf32>
      %get3A_203 = arith.index_cast %scan3A_116 : i32 to index
      %get3A_204 = arith.constant 96 : index
      %get3A_205 = tpu.vector_load %arg5[%get3A_203, %get3A_204] {strides = array<i32>} : memref<64x512xf32, #tpu.memory_space<vmem>>, vector<16xf32>,
      %mul3A_206 = arith.mulf %gather3A_172, %get3A_205 : vector<16xf32>
      %add3A_207 = arith.addf %scan3A_123, %mul3A_206 : vector<16xf32>
      %get3A_208 = arith.index_cast %scan3A_116 : i32 to index
      %get3A_209 = arith.constant 112 : index
      %get3A_210 = tpu.vector_load %arg5[%get3A_208, %get3A_209] {strides = array<i32>} : memref<64x512xf32, #tpu.memory_space<vmem>>, vector<16xf32>,
      %mul3A_211 = arith.mulf %gather3A_172, %get3A_210 : vector<16xf32>
      %add3A_212 = arith.addf %scan3A_124, %mul3A_211 : vector<16xf32>
      %get3A_213 = arith.index_cast %scan3A_116 : i32 to index
      %get3A_214 = arith.constant 128 : index
      %get3A_215 = tpu.vector_load %arg5[%get3A_213, %get3A_214] {strides = array<i32>} : memref<64x512xf32, #tpu.memory_space<vmem>>, vector<16xf32>,
      %mul3A_216 = arith.mulf %gather3A_172, %get3A_215 : vector<16xf32>
      %add3A_217 = arith.addf %scan3A_125, %mul3A_216 : vector<16xf32>
      %get3A_218 = arith.index_cast %scan3A_116 : i32 to index
      %get3A_219 = arith.constant 144 : index
      %get3A_220 = tpu.vector_load %arg5[%get3A_218, %get3A_219] {strides = array<i32>} : memref<64x512xf32, #tpu.memory_space<vmem>>, vector<16xf32>,
      %mul3A_221 = arith.mulf %gather3A_172, %get3A_220 : vector<16xf32>
      %add3A_222 = arith.addf %scan3A_126, %mul3A_221 : vector<16xf32>
      %get3A_223 = arith.index_cast %scan3A_116 : i32 to index
      %get3A_224 = arith.constant 160 : index
      %get3A_225 = tpu.vector_load %arg5[%get3A_223, %get3A_224] {strides = array<i32>} : memref<64x512xf32, #tpu.memory_space<vmem>>, vector<16xf32>,
      %mul3A_226 = arith.mulf %gather3A_172, %get3A_225 : vector<16xf32>
      %add3A_227 = arith.addf %scan3A_127, %mul3A_226 : vector<16xf32>
      %get3A_228 = arith.index_cast %scan3A_116 : i32 to index
      %get3A_229 = arith.constant 176 : index
      %get3A_230 = tpu.vector_load %arg5[%get3A_228, %get3A_229] {strides = array<i32>} : memref<64x512xf32, #tpu.memory_space<vmem>>, vector<16xf32>,
      %mul3A_231 = arith.mulf %gather3A_172, %get3A_230 : vector<16xf32>
      %add3A_232 = arith.addf %scan3A_128, %mul3A_231 : vector<16xf32>
      %get3A_233 = arith.index_cast %scan3A_116 : i32 to index
      %get3A_234 = arith.constant 192 : index
      %get3A_235 = tpu.vector_load %arg5[%get3A_233, %get3A_234] {strides = array<i32>} : memref<64x512xf32, #tpu.memory_space<vmem>>, vector<16xf32>,
      %mul3A_236 = arith.mulf %gather3A_172, %get3A_235 : vector<16xf32>
      %add3A_237 = arith.addf %scan3A_129, %mul3A_236 : vector<16xf32>
      %get3A_238 = arith.index_cast %scan3A_116 : i32 to index
      %get3A_239 = arith.constant 208 : index
      %get3A_240 = tpu.vector_load %arg5[%get3A_238, %get3A_239] {strides = array<i32>} : memref<64x512xf32, #tpu.memory_space<vmem>>, vector<16xf32>,
      %mul3A_241 = arith.mulf %gather3A_172, %get3A_240 : vector<16xf32>
      %add3A_242 = arith.addf %scan3A_130, %mul3A_241 : vector<16xf32>
      %get3A_243 = arith.index_cast %scan3A_116 : i32 to index
      %get3A_244 = arith.constant 224 : index
      %get3A_245 = tpu.vector_load %arg5[%get3A_243, %get3A_244] {strides = array<i32>} : memref<64x512xf32, #tpu.memory_space<vmem>>, vector<16xf32>,
      %mul3A_246 = arith.mulf %gather3A_172, %get3A_245 : vector<16xf32>
      %add3A_247 = arith.addf %scan3A_131, %mul3A_246 : vector<16xf32>
      %get3A_248 = arith.index_cast %scan3A_116 : i32 to index
      %get3A_249 = arith.constant 240 : index
      %get3A_250 = tpu.vector_load %arg5[%get3A_248, %get3A_249] {strides = array<i32>} : memref<64x512xf32, #tpu.memory_space<vmem>>, vector<16xf32>,
      %mul3A_251 = arith.mulf %gather3A_172, %get3A_250 : vector<16xf32>
      %add3A_252 = arith.addf %scan3A_132, %mul3A_251 : vector<16xf32>
      %get3A_253 = arith.index_cast %scan3A_116 : i32 to index
      %get3A_254 = arith.constant 256 : index
      %get3A_255 = tpu.vector_load %arg5[%get3A_253, %get3A_254] {strides = array<i32>} : memref<64x512xf32, #tpu.memory_space<vmem>>, vector<16xf32>,
      %mul3A_256 = arith.mulf %gather3A_172, %get3A_255 : vector<16xf32>
      %add3A_257 = arith.addf %scan3A_133, %mul3A_256 : vector<16xf32>
      %get3A_258 = arith.index_cast %scan3A_116 : i32 to index
      %get3A_259 = arith.constant 272 : index
      %get3A_260 = tpu.vector_load %arg5[%get3A_258, %get3A_259] {strides = array<i32>} : memref<64x512xf32, #tpu.memory_space<vmem>>, vector<16xf32>,
      %mul3A_261 = arith.mulf %gather3A_172, %get3A_260 : vector<16xf32>
      %add3A_262 = arith.addf %scan3A_134, %mul3A_261 : vector<16xf32>
      %get3A_263 = arith.index_cast %scan3A_116 : i32 to index
      %get3A_264 = arith.constant 288 : index
      %get3A_265 = tpu.vector_load %arg5[%get3A_263, %get3A_264] {strides = array<i32>} : memref<64x512xf32, #tpu.memory_space<vmem>>, vector<16xf32>,
      %mul3A_266 = arith.mulf %gather3A_172, %get3A_265 : vector<16xf32>
      %add3A_267 = arith.addf %scan3A_135, %mul3A_266 : vector<16xf32>
      %get3A_268 = arith.index_cast %scan3A_116 : i32 to index
      %get3A_269 = arith.constant 304 : index
      %get3A_270 = tpu.vector_load %arg5[%get3A_268, %get3A_269] {strides = array<i32>} : memref<64x512xf32, #tpu.memory_space<vmem>>, vector<16xf32>,
      %mul3A_271 = arith.mulf %gather3A_172, %get3A_270 : vector<16xf32>
      %add3A_272 = arith.addf %scan3A_136, %mul3A_271 : vector<16xf32>
      %get3A_273 = arith.index_cast %scan3A_116 : i32 to index
      %get3A_274 = arith.constant 320 : index
      %get3A_275 = tpu.vector_load %arg5[%get3A_273, %get3A_274] {strides = array<i32>} : memref<64x512xf32, #tpu.memory_space<vmem>>, vector<16xf32>,
      %mul3A_276 = arith.mulf %gather3A_172, %get3A_275 : vector<16xf32>
      %add3A_277 = arith.addf %scan3A_137, %mul3A_276 : vector<16xf32>
      %get3A_278 = arith.index_cast %scan3A_116 : i32 to index
      %get3A_279 = arith.constant 336 : index
      %get3A_280 = tpu.vector_load %arg5[%get3A_278, %get3A_279] {strides = array<i32>} : memref<64x512xf32, #tpu.memory_space<vmem>>, vector<16xf32>,
      %mul3A_281 = arith.mulf %gather3A_172, %get3A_280 : vector<16xf32>
      %add3A_282 = arith.addf %scan3A_138, %mul3A_281 : vector<16xf32>
      %get3A_283 = arith.index_cast %scan3A_116 : i32 to index
      %get3A_284 = arith.constant 352 : index
      %get3A_285 = tpu.vector_load %arg5[%get3A_283, %get3A_284] {strides = array<i32>} : memref<64x512xf32, #tpu.memory_space<vmem>>, vector<16xf32>,
      %mul3A_286 = arith.mulf %gather3A_172, %get3A_285 : vector<16xf32>
      %add3A_287 = arith.addf %scan3A_139, %mul3A_286 : vector<16xf32>
      %get3A_288 = arith.index_cast %scan3A_116 : i32 to index
      %get3A_289 = arith.constant 368 : index
      %get3A_290 = tpu.vector_load %arg5[%get3A_288, %get3A_289] {strides = array<i32>} : memref<64x512xf32, #tpu.memory_space<vmem>>, vector<16xf32>,
      %mul3A_291 = arith.mulf %gather3A_172, %get3A_290 : vector<16xf32>
      %add3A_292 = arith.addf %scan3A_140, %mul3A_291 : vector<16xf32>
      %get3A_293 = arith.index_cast %scan3A_116 : i32 to index
      %get3A_294 = arith.constant 384 : index
      %get3A_295 = tpu.vector_load %arg5[%get3A_293, %get3A_294] {strides = array<i32>} : memref<64x512xf32, #tpu.memory_space<vmem>>, vector<16xf32>,
      %mul3A_296 = arith.mulf %gather3A_172, %get3A_295 : vector<16xf32>
      %add3A_297 = arith.addf %scan3A_141, %mul3A_296 : vector<16xf32>
      %get3A_298 = arith.index_cast %scan3A_116 : i32 to index
      %get3A_299 = arith.constant 400 : index
      %get3A_300 = tpu.vector_load %arg5[%get3A_298, %get3A_299] {strides = array<i32>} : memref<64x512xf32, #tpu.memory_space<vmem>>, vector<16xf32>,
      %mul3A_301 = arith.mulf %gather3A_172, %get3A_300 : vector<16xf32>
      %add3A_302 = arith.addf %scan3A_142, %mul3A_301 : vector<16xf32>
      %get3A_303 = arith.index_cast %scan3A_116 : i32 to index
      %get3A_304 = arith.constant 416 : index
      %get3A_305 = tpu.vector_load %arg5[%get3A_303, %get3A_304] {strides = array<i32>} : memref<64x512xf32, #tpu.memory_space<vmem>>, vector<16xf32>,
      %mul3A_306 = arith.mulf %gather3A_172, %get3A_305 : vector<16xf32>
      %add3A_307 = arith.addf %scan3A_143, %mul3A_306 : vector<16xf32>
      %get3A_308 = arith.index_cast %scan3A_116 : i32 to index
      %get3A_309 = arith.constant 432 : index
      %get3A_310 = tpu.vector_load %arg5[%get3A_308, %get3A_309] {strides = array<i32>} : memref<64x512xf32, #tpu.memory_space<vmem>>, vector<16xf32>,
      %mul3A_311 = arith.mulf %gather3A_172, %get3A_310 : vector<16xf32>
      %add3A_312 = arith.addf %scan3A_144, %mul3A_311 : vector<16xf32>
      %get3A_313 = arith.index_cast %scan3A_116 : i32 to index
      %get3A_314 = arith.constant 448 : index
      %get3A_315 = tpu.vector_load %arg5[%get3A_313, %get3A_314] {strides = array<i32>} : memref<64x512xf32, #tpu.memory_space<vmem>>, vector<16xf32>,
      %mul3A_316 = arith.mulf %gather3A_172, %get3A_315 : vector<16xf32>
      %add3A_317 = arith.addf %scan3A_145, %mul3A_316 : vector<16xf32>
      %get3A_318 = arith.index_cast %scan3A_116 : i32 to index
      %get3A_319 = arith.constant 464 : index
      %get3A_320 = tpu.vector_load %arg5[%get3A_318, %get3A_319] {strides = array<i32>} : memref<64x512xf32, #tpu.memory_space<vmem>>, vector<16xf32>,
      %mul3A_321 = arith.mulf %gather3A_172, %get3A_320 : vector<16xf32>
      %add3A_322 = arith.addf %scan3A_146, %mul3A_321 : vector<16xf32>
      %get3A_323 = arith.index_cast %scan3A_116 : i32 to index
      %get3A_324 = arith.constant 480 : index
      %get3A_325 = tpu.vector_load %arg5[%get3A_323, %get3A_324] {strides = array<i32>} : memref<64x512xf32, #tpu.memory_space<vmem>>, vector<16xf32>,
      %mul3A_326 = arith.mulf %gather3A_172, %get3A_325 : vector<16xf32>
      %add3A_327 = arith.addf %scan3A_147, %mul3A_326 : vector<16xf32>
      %get3A_328 = arith.index_cast %scan3A_116 : i32 to index
      %get3A_329 = arith.constant 496 : index
      %get3A_330 = tpu.vector_load %arg5[%get3A_328, %get3A_329] {strides = array<i32>} : memref<64x512xf32, #tpu.memory_space<vmem>>, vector<16xf32>,
      %mul3A_331 = arith.mulf %gather3A_172, %get3A_330 : vector<16xf32>
      %add3A_332 = arith.addf %scan3A_148, %mul3A_331 : vector<16xf32>
      scf.yield %add3A_177, %add3A_182, %add3A_187, %add3A_192, %add3A_197, %add3A_202, %add3A_207, %add3A_212, %add3A_217, %add3A_222, %add3A_227, %add3A_232, %add3A_237, %add3A_242, %add3A_247, %add3A_252, %add3A_257, %add3A_262, %add3A_267, %add3A_272, %add3A_277, %add3A_282, %add3A_287, %add3A_292, %add3A_297, %add3A_302, %add3A_307, %add3A_312, %add3A_317, %add3A_322, %add3A_327, %add3A_332 : vector<16xf32>, vector<16xf32>, vector<16xf32>, vector<16xf32>, vector<16xf32>, vector<16xf32>, vector<16xf32>, vector<16xf32>, vector<16xf32>, vector<16xf32>, vector<16xf32>, vector<16xf32>, vector<16xf32>, vector<16xf32>, vector<16xf32>, vector<16xf32>, vector<16xf32>, vector<16xf32>, vector<16xf32>, vector<16xf32>, vector<16xf32>, vector<16xf32>, vector<16xf32>, vector<16xf32>, vector<16xf32>, vector<16xf32>, vector<16xf32>, vector<16xf32>, vector<16xf32>, vector<16xf32>, vector<16xf32>, vector<16xf32>
    }
    %scan3A_36 = arith.constant 32 : i32
    %dma_wait3A_37 = arith.constant 32 : i32
    %dma_wait3A_38 = arith.constant 0 : i32
    %dma_wait3A_39 = tpu.memref_slice %arg5[%dma_wait3A_37, %dma_wait3A_38] : memref<64x512xf32, #tpu.memory_space<vmem>> -> memref<32x512xf32, #tpu.memory_space<vmem>>
    %dma_wait3A_40 = arith.constant 32 : i32
    %dma_wait3A_41 = tpu.memref_slice %arg3[%dma_wait3A_40, %mul3A_2] : memref<64x16384xf32, #tpu.memory_space<hbm>> -> memref<32x512xf32, #tpu.memory_space<hbm>>
    %dma_wait3A_42 = arith.constant 32 : i32
    %dma_wait3A_43 = arith.constant 0 : i32
    %dma_wait3A_44 = tpu.memref_slice %arg5[%dma_wait3A_42, %dma_wait3A_43] : memref<64x512xf32, #tpu.memory_space<vmem>> -> memref<32x512xf32, #tpu.memory_space<vmem>>
    %dma_wait3A_45 = arith.constant 32 : i32
    %dma_wait3A_46 = tpu.memref_slice %arg3[%dma_wait3A_45, %mul3A_2] : memref<64x16384xf32, #tpu.memory_space<hbm>> -> memref<32x512xf32, #tpu.memory_space<hbm>>
    tpu.wait_dma2 semaphore(%arg9 : memref<!tpu.dma_semaphore, #tpu.memory_space<semaphore_mem>>) src(%dma_wait3A_46 : memref<32x512xf32, #tpu.memory_space<hbm>>) dst(%dma_wait3A_44 : memref<32x512xf32, #tpu.memory_space<vmem>>)
    %scan3A_47 = arith.constant 32 : i32
    %scan3A_48 = arith.constant 32 : i32
    %scan3A_49 = arith.addi %scan3A_47, %scan3A_48 : i32
    %scan3A_50 = arith.constant 1 : i32
    %scan3A_51:32 = scf.for %scan3A_116 = %scan3A_47 to %scan3A_49 step %scan3A_50 iter_args(%scan3A_117 = %scan3A_35#0, %scan3A_118 = %scan3A_35#1, %scan3A_119 = %scan3A_35#2, %scan3A_120 = %scan3A_35#3, %scan3A_121 = %scan3A_35#4, %scan3A_122 = %scan3A_35#5, %scan3A_123 = %scan3A_35#6, %scan3A_124 = %scan3A_35#7, %scan3A_125 = %scan3A_35#8, %scan3A_126 = %scan3A_35#9, %scan3A_127 = %scan3A_35#10, %scan3A_128 = %scan3A_35#11, %scan3A_129 = %scan3A_35#12, %scan3A_130 = %scan3A_35#13, %scan3A_131 = %scan3A_35#14, %scan3A_132 = %scan3A_35#15, %scan3A_133 = %scan3A_35#16, %scan3A_134 = %scan3A_35#17, %scan3A_135 = %scan3A_35#18, %scan3A_136 = %scan3A_35#19, %scan3A_137 = %scan3A_35#20, %scan3A_138 = %scan3A_35#21, %scan3A_139 = %scan3A_35#22, %scan3A_140 = %scan3A_35#23, %scan3A_141 = %scan3A_35#24, %scan3A_142 = %scan3A_35#25, %scan3A_143 = %scan3A_35#26, %scan3A_144 = %scan3A_35#27, %scan3A_145 = %scan3A_35#28, %scan3A_146 = %scan3A_35#29, %scan3A_147 = %scan3A_35#30, %scan3A_148 = %scan3A_35#31) -> (vector<16xf32>, vector<16xf32>, vector<16xf32>, vector<16xf32>, vector<16xf32>, vector<16xf32>, vector<16xf32>, vector<16xf32>, vector<16xf32>, vector<16xf32>, vector<16xf32>, vector<16xf32>, vector<16xf32>, vector<16xf32>, vector<16xf32>, vector<16xf32>, vector<16xf32>, vector<16xf32>, vector<16xf32>, vector<16xf32>, vector<16xf32>, vector<16xf32>, vector<16xf32>, vector<16xf32>, vector<16xf32>, vector<16xf32>, vector<16xf32>, vector<16xf32>, vector<16xf32>, vector<16xf32>, vector<16xf32>, vector<16xf32>)  : i32 {
      %jit3A = arith.constant 16 : i32
      %div3A = arith.divsi %scan3A_116, %jit3A : i32
      %sign3A = arith.constant 0 : i32
      %sign3A_149 = arith.cmpi sgt, %scan3A_116, %sign3A : i32
      %sign3A_150 = arith.extui %sign3A_149 : i1 to i32
      %sign3A_151 = arith.constant 0 : i32
      %sign3A_152 = arith.cmpi slt, %scan3A_116, %sign3A_151 : i32
      %sign3A_153 = arith.extui %sign3A_152 : i1 to i32
      %sign3A_154 = arith.subi %sign3A_150, %sign3A_153 : i32
      %sign3A_155 = arith.constant 0 : i32
      %sign3A_156 = arith.cmpi sgt, %jit3A, %sign3A_155 : i32
      %sign3A_157 = arith.extui %sign3A_156 : i1 to i32
      %sign3A_158 = arith.constant 0 : i32
      %sign3A_159 = arith.cmpi slt, %jit3A, %sign3A_158 : i32
      %sign3A_160 = arith.extui %sign3A_159 : i1 to i32
      %sign3A_161 = arith.subi %sign3A_157, %sign3A_160 : i32
      %ne3A = arith.cmpi ne, %sign3A_154, %sign3A_161 : i32
      %rem3A = arith.remsi %scan3A_116, %jit3A : i32
      %ne3A_162 = arith.constant 0 : i32
      %ne3A_163 = arith.cmpi ne, %rem3A, %ne3A_162 : i32
      %and3A = arith.andi %ne3A, %ne3A_163 : i1
      %sub3A = arith.constant 1 : i32
      %sub3A_164 = arith.subi %div3A, %sub3A : i32
      %select_n3A = arith.select %and3A, %sub3A_164, %div3A : i32
      %mul3A_165 = arith.constant 16 : i32
      %mul3A_166 = arith.muli %select_n3A, %mul3A_165 : i32
      %get3A = arith.constant 0 : i32
      %get3A_167 = arith.index_cast %get3A : i32 to index
      %get3A_168 = arith.index_cast %mul3A_166 : i32 to index
      %get3A_169 = tpu.vector_load %arg7[%get3A_167, %get3A_168] {strides = array<i32>} : memref<1x64xf32, #tpu.memory_space<vmem>>, vector<16xf32>,
      %sub3A_170 = arith.subi %scan3A_116, %mul3A_166 : i32
      %broadcast_in_dim3A_171 = vector.broadcast %sub3A_170 : i32 to vector<16xi32>
      %reshape3A = vector.shape_cast %broadcast_in_dim3A_171 : vector<16xi32> to vector<16x1xi32>
      %gather3A = vector.shape_cast %reshape3A : vector<16x1xi32> to vector<16xi32>
      %gather3A_172 = tpu.dynamic_gather %get3A_169[%gather3A] in [0] : vector<16xf32>, vector<16xi32> -> vector<16xf32>
      %get3A_173 = arith.index_cast %scan3A_116 : i32 to index
      %get3A_174 = arith.constant 0 : index
      %get3A_175 = tpu.vector_load %arg5[%get3A_173, %get3A_174] {strides = array<i32>} : memref<64x512xf32, #tpu.memory_space<vmem>>, vector<16xf32>,
      %mul3A_176 = arith.mulf %gather3A_172, %get3A_175 : vector<16xf32>
      %add3A_177 = arith.addf %scan3A_117, %mul3A_176 : vector<16xf32>
      %get3A_178 = arith.index_cast %scan3A_116 : i32 to index
      %get3A_179 = arith.constant 16 : index
      %get3A_180 = tpu.vector_load %arg5[%get3A_178, %get3A_179] {strides = array<i32>} : memref<64x512xf32, #tpu.memory_space<vmem>>, vector<16xf32>,
      %mul3A_181 = arith.mulf %gather3A_172, %get3A_180 : vector<16xf32>
      %add3A_182 = arith.addf %scan3A_118, %mul3A_181 : vector<16xf32>
      %get3A_183 = arith.index_cast %scan3A_116 : i32 to index
      %get3A_184 = arith.constant 32 : index
      %get3A_185 = tpu.vector_load %arg5[%get3A_183, %get3A_184] {strides = array<i32>} : memref<64x512xf32, #tpu.memory_space<vmem>>, vector<16xf32>,
      %mul3A_186 = arith.mulf %gather3A_172, %get3A_185 : vector<16xf32>
      %add3A_187 = arith.addf %scan3A_119, %mul3A_186 : vector<16xf32>
      %get3A_188 = arith.index_cast %scan3A_116 : i32 to index
      %get3A_189 = arith.constant 48 : index
      %get3A_190 = tpu.vector_load %arg5[%get3A_188, %get3A_189] {strides = array<i32>} : memref<64x512xf32, #tpu.memory_space<vmem>>, vector<16xf32>,
      %mul3A_191 = arith.mulf %gather3A_172, %get3A_190 : vector<16xf32>
      %add3A_192 = arith.addf %scan3A_120, %mul3A_191 : vector<16xf32>
      %get3A_193 = arith.index_cast %scan3A_116 : i32 to index
      %get3A_194 = arith.constant 64 : index
      %get3A_195 = tpu.vector_load %arg5[%get3A_193, %get3A_194] {strides = array<i32>} : memref<64x512xf32, #tpu.memory_space<vmem>>, vector<16xf32>,
      %mul3A_196 = arith.mulf %gather3A_172, %get3A_195 : vector<16xf32>
      %add3A_197 = arith.addf %scan3A_121, %mul3A_196 : vector<16xf32>
      %get3A_198 = arith.index_cast %scan3A_116 : i32 to index
      %get3A_199 = arith.constant 80 : index
      %get3A_200 = tpu.vector_load %arg5[%get3A_198, %get3A_199] {strides = array<i32>} : memref<64x512xf32, #tpu.memory_space<vmem>>, vector<16xf32>,
      %mul3A_201 = arith.mulf %gather3A_172, %get3A_200 : vector<16xf32>
      %add3A_202 = arith.addf %scan3A_122, %mul3A_201 : vector<16xf32>
      %get3A_203 = arith.index_cast %scan3A_116 : i32 to index
      %get3A_204 = arith.constant 96 : index
      %get3A_205 = tpu.vector_load %arg5[%get3A_203, %get3A_204] {strides = array<i32>} : memref<64x512xf32, #tpu.memory_space<vmem>>, vector<16xf32>,
      %mul3A_206 = arith.mulf %gather3A_172, %get3A_205 : vector<16xf32>
      %add3A_207 = arith.addf %scan3A_123, %mul3A_206 : vector<16xf32>
      %get3A_208 = arith.index_cast %scan3A_116 : i32 to index
      %get3A_209 = arith.constant 112 : index
      %get3A_210 = tpu.vector_load %arg5[%get3A_208, %get3A_209] {strides = array<i32>} : memref<64x512xf32, #tpu.memory_space<vmem>>, vector<16xf32>,
      %mul3A_211 = arith.mulf %gather3A_172, %get3A_210 : vector<16xf32>
      %add3A_212 = arith.addf %scan3A_124, %mul3A_211 : vector<16xf32>
      %get3A_213 = arith.index_cast %scan3A_116 : i32 to index
      %get3A_214 = arith.constant 128 : index
      %get3A_215 = tpu.vector_load %arg5[%get3A_213, %get3A_214] {strides = array<i32>} : memref<64x512xf32, #tpu.memory_space<vmem>>, vector<16xf32>,
      %mul3A_216 = arith.mulf %gather3A_172, %get3A_215 : vector<16xf32>
      %add3A_217 = arith.addf %scan3A_125, %mul3A_216 : vector<16xf32>
      %get3A_218 = arith.index_cast %scan3A_116 : i32 to index
      %get3A_219 = arith.constant 144 : index
      %get3A_220 = tpu.vector_load %arg5[%get3A_218, %get3A_219] {strides = array<i32>} : memref<64x512xf32, #tpu.memory_space<vmem>>, vector<16xf32>,
      %mul3A_221 = arith.mulf %gather3A_172, %get3A_220 : vector<16xf32>
      %add3A_222 = arith.addf %scan3A_126, %mul3A_221 : vector<16xf32>
      %get3A_223 = arith.index_cast %scan3A_116 : i32 to index
      %get3A_224 = arith.constant 160 : index
      %get3A_225 = tpu.vector_load %arg5[%get3A_223, %get3A_224] {strides = array<i32>} : memref<64x512xf32, #tpu.memory_space<vmem>>, vector<16xf32>,
      %mul3A_226 = arith.mulf %gather3A_172, %get3A_225 : vector<16xf32>
      %add3A_227 = arith.addf %scan3A_127, %mul3A_226 : vector<16xf32>
      %get3A_228 = arith.index_cast %scan3A_116 : i32 to index
      %get3A_229 = arith.constant 176 : index
      %get3A_230 = tpu.vector_load %arg5[%get3A_228, %get3A_229] {strides = array<i32>} : memref<64x512xf32, #tpu.memory_space<vmem>>, vector<16xf32>,
      %mul3A_231 = arith.mulf %gather3A_172, %get3A_230 : vector<16xf32>
      %add3A_232 = arith.addf %scan3A_128, %mul3A_231 : vector<16xf32>
      %get3A_233 = arith.index_cast %scan3A_116 : i32 to index
      %get3A_234 = arith.constant 192 : index
      %get3A_235 = tpu.vector_load %arg5[%get3A_233, %get3A_234] {strides = array<i32>} : memref<64x512xf32, #tpu.memory_space<vmem>>, vector<16xf32>,
      %mul3A_236 = arith.mulf %gather3A_172, %get3A_235 : vector<16xf32>
      %add3A_237 = arith.addf %scan3A_129, %mul3A_236 : vector<16xf32>
      %get3A_238 = arith.index_cast %scan3A_116 : i32 to index
      %get3A_239 = arith.constant 208 : index
      %get3A_240 = tpu.vector_load %arg5[%get3A_238, %get3A_239] {strides = array<i32>} : memref<64x512xf32, #tpu.memory_space<vmem>>, vector<16xf32>,
      %mul3A_241 = arith.mulf %gather3A_172, %get3A_240 : vector<16xf32>
      %add3A_242 = arith.addf %scan3A_130, %mul3A_241 : vector<16xf32>
      %get3A_243 = arith.index_cast %scan3A_116 : i32 to index
      %get3A_244 = arith.constant 224 : index
      %get3A_245 = tpu.vector_load %arg5[%get3A_243, %get3A_244] {strides = array<i32>} : memref<64x512xf32, #tpu.memory_space<vmem>>, vector<16xf32>,
      %mul3A_246 = arith.mulf %gather3A_172, %get3A_245 : vector<16xf32>
      %add3A_247 = arith.addf %scan3A_131, %mul3A_246 : vector<16xf32>
      %get3A_248 = arith.index_cast %scan3A_116 : i32 to index
      %get3A_249 = arith.constant 240 : index
      %get3A_250 = tpu.vector_load %arg5[%get3A_248, %get3A_249] {strides = array<i32>} : memref<64x512xf32, #tpu.memory_space<vmem>>, vector<16xf32>,
      %mul3A_251 = arith.mulf %gather3A_172, %get3A_250 : vector<16xf32>
      %add3A_252 = arith.addf %scan3A_132, %mul3A_251 : vector<16xf32>
      %get3A_253 = arith.index_cast %scan3A_116 : i32 to index
      %get3A_254 = arith.constant 256 : index
      %get3A_255 = tpu.vector_load %arg5[%get3A_253, %get3A_254] {strides = array<i32>} : memref<64x512xf32, #tpu.memory_space<vmem>>, vector<16xf32>,
      %mul3A_256 = arith.mulf %gather3A_172, %get3A_255 : vector<16xf32>
      %add3A_257 = arith.addf %scan3A_133, %mul3A_256 : vector<16xf32>
      %get3A_258 = arith.index_cast %scan3A_116 : i32 to index
      %get3A_259 = arith.constant 272 : index
      %get3A_260 = tpu.vector_load %arg5[%get3A_258, %get3A_259] {strides = array<i32>} : memref<64x512xf32, #tpu.memory_space<vmem>>, vector<16xf32>,
      %mul3A_261 = arith.mulf %gather3A_172, %get3A_260 : vector<16xf32>
      %add3A_262 = arith.addf %scan3A_134, %mul3A_261 : vector<16xf32>
      %get3A_263 = arith.index_cast %scan3A_116 : i32 to index
      %get3A_264 = arith.constant 288 : index
      %get3A_265 = tpu.vector_load %arg5[%get3A_263, %get3A_264] {strides = array<i32>} : memref<64x512xf32, #tpu.memory_space<vmem>>, vector<16xf32>,
      %mul3A_266 = arith.mulf %gather3A_172, %get3A_265 : vector<16xf32>
      %add3A_267 = arith.addf %scan3A_135, %mul3A_266 : vector<16xf32>
      %get3A_268 = arith.index_cast %scan3A_116 : i32 to index
      %get3A_269 = arith.constant 304 : index
      %get3A_270 = tpu.vector_load %arg5[%get3A_268, %get3A_269] {strides = array<i32>} : memref<64x512xf32, #tpu.memory_space<vmem>>, vector<16xf32>,
      %mul3A_271 = arith.mulf %gather3A_172, %get3A_270 : vector<16xf32>
      %add3A_272 = arith.addf %scan3A_136, %mul3A_271 : vector<16xf32>
      %get3A_273 = arith.index_cast %scan3A_116 : i32 to index
      %get3A_274 = arith.constant 320 : index
      %get3A_275 = tpu.vector_load %arg5[%get3A_273, %get3A_274] {strides = array<i32>} : memref<64x512xf32, #tpu.memory_space<vmem>>, vector<16xf32>,
      %mul3A_276 = arith.mulf %gather3A_172, %get3A_275 : vector<16xf32>
      %add3A_277 = arith.addf %scan3A_137, %mul3A_276 : vector<16xf32>
      %get3A_278 = arith.index_cast %scan3A_116 : i32 to index
      %get3A_279 = arith.constant 336 : index
      %get3A_280 = tpu.vector_load %arg5[%get3A_278, %get3A_279] {strides = array<i32>} : memref<64x512xf32, #tpu.memory_space<vmem>>, vector<16xf32>,
      %mul3A_281 = arith.mulf %gather3A_172, %get3A_280 : vector<16xf32>
      %add3A_282 = arith.addf %scan3A_138, %mul3A_281 : vector<16xf32>
      %get3A_283 = arith.index_cast %scan3A_116 : i32 to index
      %get3A_284 = arith.constant 352 : index
      %get3A_285 = tpu.vector_load %arg5[%get3A_283, %get3A_284] {strides = array<i32>} : memref<64x512xf32, #tpu.memory_space<vmem>>, vector<16xf32>,
      %mul3A_286 = arith.mulf %gather3A_172, %get3A_285 : vector<16xf32>
      %add3A_287 = arith.addf %scan3A_139, %mul3A_286 : vector<16xf32>
      %get3A_288 = arith.index_cast %scan3A_116 : i32 to index
      %get3A_289 = arith.constant 368 : index
      %get3A_290 = tpu.vector_load %arg5[%get3A_288, %get3A_289] {strides = array<i32>} : memref<64x512xf32, #tpu.memory_space<vmem>>, vector<16xf32>,
      %mul3A_291 = arith.mulf %gather3A_172, %get3A_290 : vector<16xf32>
      %add3A_292 = arith.addf %scan3A_140, %mul3A_291 : vector<16xf32>
      %get3A_293 = arith.index_cast %scan3A_116 : i32 to index
      %get3A_294 = arith.constant 384 : index
      %get3A_295 = tpu.vector_load %arg5[%get3A_293, %get3A_294] {strides = array<i32>} : memref<64x512xf32, #tpu.memory_space<vmem>>, vector<16xf32>,
      %mul3A_296 = arith.mulf %gather3A_172, %get3A_295 : vector<16xf32>
      %add3A_297 = arith.addf %scan3A_141, %mul3A_296 : vector<16xf32>
      %get3A_298 = arith.index_cast %scan3A_116 : i32 to index
      %get3A_299 = arith.constant 400 : index
      %get3A_300 = tpu.vector_load %arg5[%get3A_298, %get3A_299] {strides = array<i32>} : memref<64x512xf32, #tpu.memory_space<vmem>>, vector<16xf32>,
      %mul3A_301 = arith.mulf %gather3A_172, %get3A_300 : vector<16xf32>
      %add3A_302 = arith.addf %scan3A_142, %mul3A_301 : vector<16xf32>
      %get3A_303 = arith.index_cast %scan3A_116 : i32 to index
      %get3A_304 = arith.constant 416 : index
      %get3A_305 = tpu.vector_load %arg5[%get3A_303, %get3A_304] {strides = array<i32>} : memref<64x512xf32, #tpu.memory_space<vmem>>, vector<16xf32>,
      %mul3A_306 = arith.mulf %gather3A_172, %get3A_305 : vector<16xf32>
      %add3A_307 = arith.addf %scan3A_143, %mul3A_306 : vector<16xf32>
      %get3A_308 = arith.index_cast %scan3A_116 : i32 to index
      %get3A_309 = arith.constant 432 : index
      %get3A_310 = tpu.vector_load %arg5[%get3A_308, %get3A_309] {strides = array<i32>} : memref<64x512xf32, #tpu.memory_space<vmem>>, vector<16xf32>,
      %mul3A_311 = arith.mulf %gather3A_172, %get3A_310 : vector<16xf32>
      %add3A_312 = arith.addf %scan3A_144, %mul3A_311 : vector<16xf32>
      %get3A_313 = arith.index_cast %scan3A_116 : i32 to index
      %get3A_314 = arith.constant 448 : index
      %get3A_315 = tpu.vector_load %arg5[%get3A_313, %get3A_314] {strides = array<i32>} : memref<64x512xf32, #tpu.memory_space<vmem>>, vector<16xf32>,
      %mul3A_316 = arith.mulf %gather3A_172, %get3A_315 : vector<16xf32>
      %add3A_317 = arith.addf %scan3A_145, %mul3A_316 : vector<16xf32>
      %get3A_318 = arith.index_cast %scan3A_116 : i32 to index
      %get3A_319 = arith.constant 464 : index
      %get3A_320 = tpu.vector_load %arg5[%get3A_318, %get3A_319] {strides = array<i32>} : memref<64x512xf32, #tpu.memory_space<vmem>>, vector<16xf32>,
      %mul3A_321 = arith.mulf %gather3A_172, %get3A_320 : vector<16xf32>
      %add3A_322 = arith.addf %scan3A_146, %mul3A_321 : vector<16xf32>
      %get3A_323 = arith.index_cast %scan3A_116 : i32 to index
      %get3A_324 = arith.constant 480 : index
      %get3A_325 = tpu.vector_load %arg5[%get3A_323, %get3A_324] {strides = array<i32>} : memref<64x512xf32, #tpu.memory_space<vmem>>, vector<16xf32>,
      %mul3A_326 = arith.mulf %gather3A_172, %get3A_325 : vector<16xf32>
      %add3A_327 = arith.addf %scan3A_147, %mul3A_326 : vector<16xf32>
      %get3A_328 = arith.index_cast %scan3A_116 : i32 to index
      %get3A_329 = arith.constant 496 : index
      %get3A_330 = tpu.vector_load %arg5[%get3A_328, %get3A_329] {strides = array<i32>} : memref<64x512xf32, #tpu.memory_space<vmem>>, vector<16xf32>,
      %mul3A_331 = arith.mulf %gather3A_172, %get3A_330 : vector<16xf32>
      %add3A_332 = arith.addf %scan3A_148, %mul3A_331 : vector<16xf32>
      scf.yield %add3A_177, %add3A_182, %add3A_187, %add3A_192, %add3A_197, %add3A_202, %add3A_207, %add3A_212, %add3A_217, %add3A_222, %add3A_227, %add3A_232, %add3A_237, %add3A_242, %add3A_247, %add3A_252, %add3A_257, %add3A_262, %add3A_267, %add3A_272, %add3A_277, %add3A_282, %add3A_287, %add3A_292, %add3A_297, %add3A_302, %add3A_307, %add3A_312, %add3A_317, %add3A_322, %add3A_327, %add3A_332 : vector<16xf32>, vector<16xf32>, vector<16xf32>, vector<16xf32>, vector<16xf32>, vector<16xf32>, vector<16xf32>, vector<16xf32>, vector<16xf32>, vector<16xf32>, vector<16xf32>, vector<16xf32>, vector<16xf32>, vector<16xf32>, vector<16xf32>, vector<16xf32>, vector<16xf32>, vector<16xf32>, vector<16xf32>, vector<16xf32>, vector<16xf32>, vector<16xf32>, vector<16xf32>, vector<16xf32>, vector<16xf32>, vector<16xf32>, vector<16xf32>, vector<16xf32>, vector<16xf32>, vector<16xf32>, vector<16xf32>, vector<16xf32>
    }
    %scan3A_52 = arith.constant 32 : i32
    %swap3A = arith.constant 0 : index
    %swap3A_53 = tpu.vector_load %arg6[%swap3A] {strides = array<i32>} : memref<512xf32, #tpu.memory_space<vmem>>, vector<16xf32>,
    tpu.vector_store %arg6[%swap3A], %scan3A_51#0 {strides = array<i32>} : memref<512xf32, #tpu.memory_space<vmem>>, vector<16xf32>,
    %swap3A_54 = arith.constant 16 : index
    %swap3A_55 = tpu.vector_load %arg6[%swap3A_54] {strides = array<i32>} : memref<512xf32, #tpu.memory_space<vmem>>, vector<16xf32>,
    tpu.vector_store %arg6[%swap3A_54], %scan3A_51#1 {strides = array<i32>} : memref<512xf32, #tpu.memory_space<vmem>>, vector<16xf32>,
    %swap3A_56 = arith.constant 32 : index
    %swap3A_57 = tpu.vector_load %arg6[%swap3A_56] {strides = array<i32>} : memref<512xf32, #tpu.memory_space<vmem>>, vector<16xf32>,
    tpu.vector_store %arg6[%swap3A_56], %scan3A_51#2 {strides = array<i32>} : memref<512xf32, #tpu.memory_space<vmem>>, vector<16xf32>,
    %swap3A_58 = arith.constant 48 : index
    %swap3A_59 = tpu.vector_load %arg6[%swap3A_58] {strides = array<i32>} : memref<512xf32, #tpu.memory_space<vmem>>, vector<16xf32>,
    tpu.vector_store %arg6[%swap3A_58], %scan3A_51#3 {strides = array<i32>} : memref<512xf32, #tpu.memory_space<vmem>>, vector<16xf32>,
    %swap3A_60 = arith.constant 64 : index
    %swap3A_61 = tpu.vector_load %arg6[%swap3A_60] {strides = array<i32>} : memref<512xf32, #tpu.memory_space<vmem>>, vector<16xf32>,
    tpu.vector_store %arg6[%swap3A_60], %scan3A_51#4 {strides = array<i32>} : memref<512xf32, #tpu.memory_space<vmem>>, vector<16xf32>,
    %swap3A_62 = arith.constant 80 : index
    %swap3A_63 = tpu.vector_load %arg6[%swap3A_62] {strides = array<i32>} : memref<512xf32, #tpu.memory_space<vmem>>, vector<16xf32>,
    tpu.vector_store %arg6[%swap3A_62], %scan3A_51#5 {strides = array<i32>} : memref<512xf32, #tpu.memory_space<vmem>>, vector<16xf32>,
    %swap3A_64 = arith.constant 96 : index
    %swap3A_65 = tpu.vector_load %arg6[%swap3A_64] {strides = array<i32>} : memref<512xf32, #tpu.memory_space<vmem>>, vector<16xf32>,
    tpu.vector_store %arg6[%swap3A_64], %scan3A_51#6 {strides = array<i32>} : memref<512xf32, #tpu.memory_space<vmem>>, vector<16xf32>,
    %swap3A_66 = arith.constant 112 : index
    %swap3A_67 = tpu.vector_load %arg6[%swap3A_66] {strides = array<i32>} : memref<512xf32, #tpu.memory_space<vmem>>, vector<16xf32>,
    tpu.vector_store %arg6[%swap3A_66], %scan3A_51#7 {strides = array<i32>} : memref<512xf32, #tpu.memory_space<vmem>>, vector<16xf32>,
    %swap3A_68 = arith.constant 128 : index
    %swap3A_69 = tpu.vector_load %arg6[%swap3A_68] {strides = array<i32>} : memref<512xf32, #tpu.memory_space<vmem>>, vector<16xf32>,
    tpu.vector_store %arg6[%swap3A_68], %scan3A_51#8 {strides = array<i32>} : memref<512xf32, #tpu.memory_space<vmem>>, vector<16xf32>,
    %swap3A_70 = arith.constant 144 : index
    %swap3A_71 = tpu.vector_load %arg6[%swap3A_70] {strides = array<i32>} : memref<512xf32, #tpu.memory_space<vmem>>, vector<16xf32>,
    tpu.vector_store %arg6[%swap3A_70], %scan3A_51#9 {strides = array<i32>} : memref<512xf32, #tpu.memory_space<vmem>>, vector<16xf32>,
    %swap3A_72 = arith.constant 160 : index
    %swap3A_73 = tpu.vector_load %arg6[%swap3A_72] {strides = array<i32>} : memref<512xf32, #tpu.memory_space<vmem>>, vector<16xf32>,
    tpu.vector_store %arg6[%swap3A_72], %scan3A_51#10 {strides = array<i32>} : memref<512xf32, #tpu.memory_space<vmem>>, vector<16xf32>,
    %swap3A_74 = arith.constant 176 : index
    %swap3A_75 = tpu.vector_load %arg6[%swap3A_74] {strides = array<i32>} : memref<512xf32, #tpu.memory_space<vmem>>, vector<16xf32>,
    tpu.vector_store %arg6[%swap3A_74], %scan3A_51#11 {strides = array<i32>} : memref<512xf32, #tpu.memory_space<vmem>>, vector<16xf32>,
    %swap3A_76 = arith.constant 192 : index
    %swap3A_77 = tpu.vector_load %arg6[%swap3A_76] {strides = array<i32>} : memref<512xf32, #tpu.memory_space<vmem>>, vector<16xf32>,
    tpu.vector_store %arg6[%swap3A_76], %scan3A_51#12 {strides = array<i32>} : memref<512xf32, #tpu.memory_space<vmem>>, vector<16xf32>,
    %swap3A_78 = arith.constant 208 : index
    %swap3A_79 = tpu.vector_load %arg6[%swap3A_78] {strides = array<i32>} : memref<512xf32, #tpu.memory_space<vmem>>, vector<16xf32>,
    tpu.vector_store %arg6[%swap3A_78], %scan3A_51#13 {strides = array<i32>} : memref<512xf32, #tpu.memory_space<vmem>>, vector<16xf32>,
    %swap3A_80 = arith.constant 224 : index
    %swap3A_81 = tpu.vector_load %arg6[%swap3A_80] {strides = array<i32>} : memref<512xf32, #tpu.memory_space<vmem>>, vector<16xf32>,
    tpu.vector_store %arg6[%swap3A_80], %scan3A_51#14 {strides = array<i32>} : memref<512xf32, #tpu.memory_space<vmem>>, vector<16xf32>,
    %swap3A_82 = arith.constant 240 : index
    %swap3A_83 = tpu.vector_load %arg6[%swap3A_82] {strides = array<i32>} : memref<512xf32, #tpu.memory_space<vmem>>, vector<16xf32>,
    tpu.vector_store %arg6[%swap3A_82], %scan3A_51#15 {strides = array<i32>} : memref<512xf32, #tpu.memory_space<vmem>>, vector<16xf32>,
    %swap3A_84 = arith.constant 256 : index
    %swap3A_85 = tpu.vector_load %arg6[%swap3A_84] {strides = array<i32>} : memref<512xf32, #tpu.memory_space<vmem>>, vector<16xf32>,
    tpu.vector_store %arg6[%swap3A_84], %scan3A_51#16 {strides = array<i32>} : memref<512xf32, #tpu.memory_space<vmem>>, vector<16xf32>,
    %swap3A_86 = arith.constant 272 : index
    %swap3A_87 = tpu.vector_load %arg6[%swap3A_86] {strides = array<i32>} : memref<512xf32, #tpu.memory_space<vmem>>, vector<16xf32>,
    tpu.vector_store %arg6[%swap3A_86], %scan3A_51#17 {strides = array<i32>} : memref<512xf32, #tpu.memory_space<vmem>>, vector<16xf32>,
    %swap3A_88 = arith.constant 288 : index
    %swap3A_89 = tpu.vector_load %arg6[%swap3A_88] {strides = array<i32>} : memref<512xf32, #tpu.memory_space<vmem>>, vector<16xf32>,
    tpu.vector_store %arg6[%swap3A_88], %scan3A_51#18 {strides = array<i32>} : memref<512xf32, #tpu.memory_space<vmem>>, vector<16xf32>,
    %swap3A_90 = arith.constant 304 : index
    %swap3A_91 = tpu.vector_load %arg6[%swap3A_90] {strides = array<i32>} : memref<512xf32, #tpu.memory_space<vmem>>, vector<16xf32>,
    tpu.vector_store %arg6[%swap3A_90], %scan3A_51#19 {strides = array<i32>} : memref<512xf32, #tpu.memory_space<vmem>>, vector<16xf32>,
    %swap3A_92 = arith.constant 320 : index
    %swap3A_93 = tpu.vector_load %arg6[%swap3A_92] {strides = array<i32>} : memref<512xf32, #tpu.memory_space<vmem>>, vector<16xf32>,
    tpu.vector_store %arg6[%swap3A_92], %scan3A_51#20 {strides = array<i32>} : memref<512xf32, #tpu.memory_space<vmem>>, vector<16xf32>,
    %swap3A_94 = arith.constant 336 : index
    %swap3A_95 = tpu.vector_load %arg6[%swap3A_94] {strides = array<i32>} : memref<512xf32, #tpu.memory_space<vmem>>, vector<16xf32>,
    tpu.vector_store %arg6[%swap3A_94], %scan3A_51#21 {strides = array<i32>} : memref<512xf32, #tpu.memory_space<vmem>>, vector<16xf32>,
    %swap3A_96 = arith.constant 352 : index
    %swap3A_97 = tpu.vector_load %arg6[%swap3A_96] {strides = array<i32>} : memref<512xf32, #tpu.memory_space<vmem>>, vector<16xf32>,
    tpu.vector_store %arg6[%swap3A_96], %scan3A_51#22 {strides = array<i32>} : memref<512xf32, #tpu.memory_space<vmem>>, vector<16xf32>,
    %swap3A_98 = arith.constant 368 : index
    %swap3A_99 = tpu.vector_load %arg6[%swap3A_98] {strides = array<i32>} : memref<512xf32, #tpu.memory_space<vmem>>, vector<16xf32>,
    tpu.vector_store %arg6[%swap3A_98], %scan3A_51#23 {strides = array<i32>} : memref<512xf32, #tpu.memory_space<vmem>>, vector<16xf32>,
    %swap3A_100 = arith.constant 384 : index
    %swap3A_101 = tpu.vector_load %arg6[%swap3A_100] {strides = array<i32>} : memref<512xf32, #tpu.memory_space<vmem>>, vector<16xf32>,
    tpu.vector_store %arg6[%swap3A_100], %scan3A_51#24 {strides = array<i32>} : memref<512xf32, #tpu.memory_space<vmem>>, vector<16xf32>,
    %swap3A_102 = arith.constant 400 : index
    %swap3A_103 = tpu.vector_load %arg6[%swap3A_102] {strides = array<i32>} : memref<512xf32, #tpu.memory_space<vmem>>, vector<16xf32>,
    tpu.vector_store %arg6[%swap3A_102], %scan3A_51#25 {strides = array<i32>} : memref<512xf32, #tpu.memory_space<vmem>>, vector<16xf32>,
    %swap3A_104 = arith.constant 416 : index
    %swap3A_105 = tpu.vector_load %arg6[%swap3A_104] {strides = array<i32>} : memref<512xf32, #tpu.memory_space<vmem>>, vector<16xf32>,
    tpu.vector_store %arg6[%swap3A_104], %scan3A_51#26 {strides = array<i32>} : memref<512xf32, #tpu.memory_space<vmem>>, vector<16xf32>,
    %swap3A_106 = arith.constant 432 : index
    %swap3A_107 = tpu.vector_load %arg6[%swap3A_106] {strides = array<i32>} : memref<512xf32, #tpu.memory_space<vmem>>, vector<16xf32>,
    tpu.vector_store %arg6[%swap3A_106], %scan3A_51#27 {strides = array<i32>} : memref<512xf32, #tpu.memory_space<vmem>>, vector<16xf32>,
    %swap3A_108 = arith.constant 448 : index
    %swap3A_109 = tpu.vector_load %arg6[%swap3A_108] {strides = array<i32>} : memref<512xf32, #tpu.memory_space<vmem>>, vector<16xf32>,
    tpu.vector_store %arg6[%swap3A_108], %scan3A_51#28 {strides = array<i32>} : memref<512xf32, #tpu.memory_space<vmem>>, vector<16xf32>,
    %swap3A_110 = arith.constant 464 : index
    %swap3A_111 = tpu.vector_load %arg6[%swap3A_110] {strides = array<i32>} : memref<512xf32, #tpu.memory_space<vmem>>, vector<16xf32>,
    tpu.vector_store %arg6[%swap3A_110], %scan3A_51#29 {strides = array<i32>} : memref<512xf32, #tpu.memory_space<vmem>>, vector<16xf32>,
    %swap3A_112 = arith.constant 480 : index
    %swap3A_113 = tpu.vector_load %arg6[%swap3A_112] {strides = array<i32>} : memref<512xf32, #tpu.memory_space<vmem>>, vector<16xf32>,
    tpu.vector_store %arg6[%swap3A_112], %scan3A_51#30 {strides = array<i32>} : memref<512xf32, #tpu.memory_space<vmem>>, vector<16xf32>,
    %swap3A_114 = arith.constant 496 : index
    %swap3A_115 = tpu.vector_load %arg6[%swap3A_114] {strides = array<i32>} : memref<512xf32, #tpu.memory_space<vmem>>, vector<16xf32>,
    tpu.vector_store %arg6[%swap3A_114], %scan3A_51#31 {strides = array<i32>} : memref<512xf32, #tpu.memory_space<vmem>>, vector<16xf32>,
    "tpu.region"() ({
      %run_scoped3A = tpu.sem_alloc : memref<!tpu.dma_semaphore, #tpu.memory_space<semaphore_mem>>
      %dma_start3A_116 = tpu.memref_slice %arg4[%mul3A_2] : memref<16384xf32, #tpu.memory_space<hbm>> -> memref<512xf32, #tpu.memory_space<hbm>>
      %dma_start3A_117 = tpu.memref_slice %arg4[%mul3A_2] : memref<16384xf32, #tpu.memory_space<hbm>> -> memref<512xf32, #tpu.memory_space<hbm>>
      tpu.enqueue_dma source(%arg6 : memref<512xf32, #tpu.memory_space<vmem>>) target(%dma_start3A_117 : memref<512xf32, #tpu.memory_space<hbm>>) target_semaphore(%run_scoped3A : memref<!tpu.dma_semaphore, #tpu.memory_space<semaphore_mem>>)
      %dma_wait3A_118 = tpu.memref_slice %arg4[%mul3A_2] : memref<16384xf32, #tpu.memory_space<hbm>> -> memref<512xf32, #tpu.memory_space<hbm>>
      %dma_wait3A_119 = tpu.memref_slice %arg4[%mul3A_2] : memref<16384xf32, #tpu.memory_space<hbm>> -> memref<512xf32, #tpu.memory_space<hbm>>
      tpu.wait_dma2 semaphore(%run_scoped3A : memref<!tpu.dma_semaphore, #tpu.memory_space<semaphore_mem>>) src(%arg6 : memref<512xf32, #tpu.memory_space<vmem>>) dst(%dma_wait3A_119 : memref<512xf32, #tpu.memory_space<hbm>>)
      tpu.yield
    }) : () -> ()
    return
  }
}

</mosaic_0001>

<sc_bundles>
// kernel: kernel.3.cloned.1.call-start
scs
__scs_entry_jumppad:
0x0: {  	(pc) =	sbr.rel $0x88, $3  }
0x1: {  	(tag) =	ssettag $0x0;
	lr =	simm.s32 $0x1  }
0x2: {  	[smem:$0x3F9F] =	sst lr;
	_ =	strace $0xD0000000  }
0x3: {  	_ = 	snop  }
0x4: {  	_ = 	snop  }
0x5: {  	_ = 	snop  }
0x6: {  	_ = 	snop  }
0x7: {  	_ = 	snop  }
__scs_overlays_trampoline_lowered:
0x8: {  	[smem:$0x3FAE] =	sst s0  }
0x9: {  	[smem:$0x3FAF] =	sst s1  }
0xa: {  	[smem:$0x3FB0] =	sst s2  }
0xb: {  	[smem:$0x3FB1] =	sst s3  }
0xc: {  	[smem:$0x3FB2] =	sst s4  }
0xd: {  	[smem:$0x3FB3] =	sst s5  }
0xe: {  	[smem:$0x3FB4] =	sst s6  }
0xf: {  	[smem:$0x3FB5] =	sst s7  }
0x10: {  	[smem:$0x3FB6] =	sst s8  }
0x11: {  	[smem:$0x3FB7] =	sst s9;
	s0 =	simm.s32 @!p0 $0x0  }
0x12: {  	s1 =	sld [smem:$0x3F9D];
	s0 =	simm.s32 @p0 $0x1  }
0x13: {  	[smem:$0x3FB8] =	sst s0;
	s0 =	simm.s32 @!p1 $0x0  }
0x14: {  	s2 =	sld [smem:$0x3F9C];
	s0 =	simm.s32 @p1 $0x1  }
0x15: {  	[smem:$0x3FB9] =	sst s0;
	s0 =	simm.s32 @!p2 $0x0  }
0x16: {  	s3 =	sld [smem:$0x3FDB];
	s0 =	simm.s32 @p2 $0x1  }
0x17: {  	s4 =	simm.s32 $0x1BF5;
	[smem:$0x3FBB] =	sst s0  }
0x18: {  	s0 =	sld [smem:$0x3F9E];
	_ =	swait.ge [sflag:s4], $0x0  }
0x19: {  	s7 =	sld [smem:$0x3F9F]  }
0x1a: {  	s8 =	sadd.s32 $0xFFFFE003, lr  }
0x1b: {  	s9 =	sadd.s32 $0xFFFFFEF7, lr;
	s5 =	simm.s32 $0xFFFFFFFF;
	p2 =	slt.u32 s8, $0xFFFFF086  }
0x1c: {  	p1 =	slt.u32 s9, $0xF7A;
	s5 =	simm.s32 @!p2 $0x0  }
0x1d: {  	s5 =	simm.s32 @p1 $0x1;
	p0 =	seq.s32 s7, s2  }
0x1e: {  	s7 =	smul.u32 @!p0 $0xF7A, s2;
	p2 =	seq.s32 @!p0 s5, $0x0  }
0x1f: {  	s9 =	smul.u32 $0xF7A, s1;
	s8 =	simm.s32 @!p0 $0x1BF5;
	p2 =	por !p2, p0  }
0x20: {  	[sflag:s8] =	ssyncset.s32 @!p0 $0xFFFFF086;
	s6 =	sadd.s32 @!p0 s3, s7;
	s7 =	simm.s32 @!p0 $0x108  }
0x21: {  	s3 =	sadd.s32 s3, s9;
	s6 =	sadd.s32 @!p0 $0x88, s6;
	s7 =	simm.s32 @p2 $0x1082  }
0x22: {  	[simem:s7], [sflag:s8] =	dma.local @!p0 [hbm:s6], $0xF7A  }
0x23: {  	s9 =	sor.u32 $0xD0000000, s2;
	s6 =	simm.s32 $0x108;
	_ =	swait.ge @!p0 [sflag:s8], $0x0  }
0x24: {  	s3 =	sadd.s32 $0x88, s3;
	s6 =	simm.s32 @!p1 $0x1082;
	[sflag:s4] =	ssyncset.s32 $0xFFFFF086  }
0x25: {  	[simem:s6], [sflag:s4] =	dma.local [hbm:s3], $0xF7A  }
0x26: {  	[smem:$0x3F9F] =	sst s1;
	(tag) =	ssettag s2;
	_ =	strace s9  }
0x27: {  	s1 =	sld [smem:$0x3FAF]  }
0x28: {  	s2 =	sld [smem:$0x3FB0]  }
0x29: {  	s4 =	sld [smem:$0x3FB2]  }
0x2a: {  	p0 =	seq.s32 s5, $0x0;
	s5 =	sld [smem:$0x3FB3]  }
0x2b: {  	s6 =	sld [smem:$0x3FB4]  }
0x2c: {  	s7 =	sld [smem:$0x3FB5]  }
0x2d: {  	s3 =	simm.s32 $0x108;
	s8 =	sld [smem:$0x3FB6]  }
0x2e: {  	s3 =	simm.s32 @!p0 $0x1082;
	s9 =	sld [smem:$0x3FB7]  }
0x2f: {  	lr =	sadd.s32 s0, s3;
	s0 =	sld [smem:$0x3FAE]  }
0x30: {  	s3 =	sld [smem:$0x3FB1]  }
0x31: {  	[smem:$0x3FBA] =	sst s10  }
0x32: {  	s10 =	sld [smem:$0x3FB8];
	_ =	sdelay $0x3  }
0x33: {  	p0 =	seq.s32 s10, $0x1;
	s10 =	sld [smem:$0x3FBA];
	_ =	sdelay $0x3  }
0x34: {  	[smem:$0x3FBA] =	sst s10  }
0x35: {  	s10 =	sld [smem:$0x3FB9];
	_ =	sdelay $0x3  }
0x36: {  	p1 =	seq.s32 s10, $0x1;
	s10 =	sld [smem:$0x3FBA];
	_ =	sdelay $0x3  }
0x37: {  	[smem:$0x3FBA] =	sst s10  }
0x38: {  	s10 =	sld [smem:$0x3FBB]  }
0x39: {  	_ = 	snop;
	(pc) =	sbr.ind lr, $3  }
0x3a: {  	_ = 	snop  }
0x3b: {  	_ = 	snop  }
0x3c: {  	p2 =	seq.s32 s10, $0x1;
	s10 =	sld [smem:$0x3FBA]  }
0x3d: {  	_ =	shalt  }
0x3e: {  	_ =	shalt  }
0x3f: {  	_ =	shalt  }
0x40: {  	_ =	shalt  }
0x41: {  	_ =	shalt  }
0x42: {  	_ =	shalt  }
0x43: {  	_ =	shalt  }
0x44: {  	_ =	shalt  }
0x45: {  	_ =	shalt  }
0x46: {  	_ =	shalt  }
0x47: {  	_ =	shalt  }
0x48: {  	_ =	shalt  }
0x49: {  	_ =	shalt  }
0x4a: {  	_ =	shalt  }
0x4b: {  	_ =	shalt  }
0x4c: {  	_ =	shalt  }
0x4d: {  	_ =	shalt  }
0x4e: {  	_ =	shalt  }
0x4f: {  	_ =	shalt  }
0x50: {  	_ =	shalt  }
0x51: {  	_ =	shalt  }
0x52: {  	_ =	shalt  }
0x53: {  	_ =	shalt  }
0x54: {  	_ =	shalt  }
0x55: {  	_ =	shalt  }
0x56: {  	_ =	shalt  }
0x57: {  	_ =	shalt  }
0x58: {  	_ =	shalt  }
0x59: {  	_ =	shalt  }
0x5a: {  	_ =	shalt  }
0x5b: {  	_ =	shalt  }
0x5c: {  	_ =	shalt  }
0x5d: {  	_ =	shalt  }
0x5e: {  	_ =	shalt  }
0x5f: {  	_ =	shalt  }
0x60: {  	_ =	shalt  }
0x61: {  	_ =	shalt  }
0x62: {  	_ =	shalt  }
0x63: {  	_ =	shalt  }
0x64: {  	_ =	shalt  }
0x65: {  	_ =	shalt  }
0x66: {  	_ =	shalt  }
0x67: {  	_ =	shalt  }
0x68: {  	_ =	shalt  }
0x69: {  	_ =	shalt  }
0x6a: {  	_ =	shalt  }
0x6b: {  	_ =	shalt  }
0x6c: {  	_ =	shalt  }
0x6d: {  	_ =	shalt  }
0x6e: {  	_ =	shalt  }
0x6f: {  	_ =	shalt  }
0x70: {  	_ =	shalt  }
0x71: {  	_ =	shalt  }
0x72: {  	_ =	shalt  }
0x73: {  	_ =	shalt  }
0x74: {  	_ =	shalt  }
0x75: {  	_ =	shalt  }
0x76: {  	_ =	shalt  }
0x77: {  	_ =	shalt  }
0x78: {  	_ =	shalt  }
0x79: {  	_ =	shalt  }
0x7a: {  	_ =	shalt  }
0x7b: {  	_ =	shalt  }
0x7c: {  	_ =	shalt  }
0x7d: {  	_ =	shalt  }
0x7e: {  	_ =	shalt  }
0x7f: {  	_ =	shalt  }
0x80: {  	_ =	shalt  }
0x81: {  	_ =	shalt  }
0x82: {  	_ =	shalt  }
0x83: {  	_ =	shalt  }
0x84: {  	_ =	shalt  }
0x85: {  	_ =	shalt  }
0x86: {  	_ =	shalt  }
0x87: {  	_ =	shalt  }
.Lfunc_end0:
.L_simem_size_0:
called_computation_lowered:
.L_overlay_start_0:
0x88: {  	s2 =	sld [smem:$0x3FD9]  }
0x89: {  	s3 =	sld [smem:$0x3FFE];
	_ =	sdelay $0x1  }
0x8a: {  	s1 =	srdreg.scid  }
0x8b: {  	s0 =	sand.u32 $0x1, s1  }
0x8c: {  	s18 =	sshll.u32 s0, $0xA;
	s2 =	sadd.s32 s3, s2  }
0x8d: {  	s2 =	sadd.s32 s2, s18  }
0x8e: {  	[smem:$0x3FC6] =	sst s2  }
0x8f: {  	_ = 	snop  }
0x90: {  	s2 =	sld [smem:$0x3FC9]  }
0x91: {  	s19 =	sld [smem:$0x3FC8]  }
0x92: {  	s4 =	sld [smem:$0x3FD0];
	(tm) =	ssettm $0x1  }
0x93: {  	s5 =	sld [smem:$0x3FFB];
	_ =	sdelay $0x3  }
0x94: {  	_ =	strace s5  }
0x95: {  	s5 =	sld [smem:$0x3FFC];
	_ =	sdelay $0x3  }
0x96: {  	_ =	strace s5  }
0x97: {  	s5 =	sld [smem:$0x3FFD];
	_ =	sdelay $0x3  }
0x98: {  	_ =	strace s5  }
0x99: {  	_ =	strace $0x8FFFFFFF  }
0x9a: {  	s20 =	sld [smem:$0x3FDB];
	_ =	sdelay $0x1  }
0x9b: {  	s6 =	simm.s32 $_scs_section_size  }
0x9c: {  	s7 =	simm.s32 $_size__tile_overlayer_lowered;
	s8 =	simm.s32 $_tile_overlayer_lowered  }
0x9d: {  	s23 =	simm.s32 $0x1BFF;
	s22 =	sshll.u32 s8, $0x1;
	s5 =	sadd.s32 s6, s20  }
0x9e: {  	s9 =	simm.s32 $0x0;
	s21 =	sshll.u32 s7, $0x1;
	s7 =	sadd.s32 s22, s5  }
0x9f: {  	[timem:s9], [sflag:s23] =	dma.local [hbm:s7], s21  }
0xa0: {  	_ =	swait.ge [sflag:s23], s21  }
0xa1: {  	s6 =	ssub.s32 $0x0, s21;
	[sflag:s23] =	ssyncset.done $0x0  }
0xa2: {  	[sflag:s23] =	ssyncadd.s32 s6;
	_ =	sdelay $0x1  }
0xa3: {  	s24 =	simm.s32 $0x1B8B  }
0xa4: {  	_ =	swait.ge [sflag:s24], $0x1  }
0xa5: {  	[sflag:s24] =	ssyncset.done $0x0  }
0xa6: {  	s25 =	simm.s32 $0x1B8E;
	[sflag:s24] =	ssyncadd.s32 $0xFFFFFFFF  }
0xa7: {  	s26 =	simm.s32 $execute0_lowered;
	[smem:$0x3FD2] =	sst s25  }
0xa8: {  	s6 =	sshll.u32 s26, $0x1;
	_ =	strace $0x80000046;
	[dreg:$0x1] =	wrdreg $0xFFFFFFFF  }
0xa9: {  	s28 =	simm.s32 $_size_execute0_lowered;
	s5 =	sadd.s32 s5, s6;
	[dreg:$0x0] =	wrdreg $0x0  }
0xaa: {  	s6 =	sshll.u32 s28, $0x1;
	[dreg:$0x2] =	wrdreg s5  }
0xab: {  	[dreg:$0x3] =	wrdreg s6  }
0xac: {  	[dreg:$0x4] =	wrdreg $0xC0  }
0xad: {  	_ =	task [dreg:s9], $0x5FFFF  }
0xae: {  	[dreg:$0x1] =	wrdreg $0xFFFFFFFF  }
0xaf: {  	[dreg:$0x0] =	wrdreg $0x60  }
0xb0: {  	[dreg:$0x2] =	wrdreg s2  }
0xb1: {  	[dreg:$0x3] =	wrdreg s19  }
0xb2: {  	[dreg:$0x4] =	wrdreg s4  }
0xb3: {  	[dreg:$0x5] =	wrdreg $0x9  }
0xb4: {  	_ =	task.clear_ibuf [dreg:s9], $0x6FFFF;
	_ =	strace $0x90000046  }
0xb5: {  	s29 =	simm.s32 $0x9;
	_ =	strace $0x80000048  }
0xb6: {  	_ =	swait.ge [sflag:s29], $0x1  }
0xb7: {  	[sflag:s29] =	ssyncadd.s32 $0xFFFFFFFF  }
0xb8: {  	_ =	strace $0x90000048  }
0xb9: {  	_ =	sfence  }
0xba: {  	s30 =	sld [smem:$0x0];
	_ =	sdelay $0x2  }
0xbb: {  	s31 =	sshll.u32 s1, $0xD;
	s1 =	sshrl.u32 s1, $0x2  }
0xbc: {  	s3 =	sand.u32 $0x4000, s31;
	s1 =	sadd.s32 s1, s30  }
0xbd: {  	s0 =	sor.u32 s3, s0;
	s1 =	sshll.u32 s1, $0x11  }
0xbe: {  	s0 =	sor.u32 s1, s0  }
0xbf: {  	s0 =	sadd.s32 $0x8F2B, s0  }
0xc0: {  	[sflag:s0] =	ssyncadd.remote.s32 $0x1  }
0xc1: {  	_ =	sfence.sel $0xFFFF  }
0xc2: {  	[dreg:$0x0] =	wrdreg $0xFFFFFFFF;
	(pc) =	sbr.abs _section_cstart, $3  }
0xc3: {  	[dreg:$0x1] =	wrdreg $0xFFFFFFFF  }
0xc4: {  	_ =	task.clear_ibuf [dreg:s9], $0x2FFFF;
	_ =	strace $0x9FFFFFFF  }
0xc5: {  	(tm) =	ssettm $0x7FFFFFFF  }
tec
execute0_lowered:
.L_overlay_start_1:
0x0: {  	(tag) =	ssettag $0x1  }
0x1: {  	s1 =	rddreg [dreg:$0x0]  }
0x2: {  	s4 =	rddreg [dreg:$0x1]  }
0x3: {  	s6 =	rddreg [dreg:$0x2];
	s3 =	srdreg.scid  }
0x4: {  	s0 =	rddreg [dreg:$0x3];
	s2 =	stileid.u32;
	s9 =	simm.s32 $0x1000  }
0x5: {  	s10 =	simm.s32 $0x20000;
	s11 =	simm.s32 $0x4000;
	s12 =	simm.s32 $0x3  }
0x6: {  	s13 =	simm.s32 $0x1;
	s14 =	simm.s32 $0x2;
	s15 =	simm.s32 $0x8000  }
0x7: {  	s16 =	simm.s32 $0x4;
	s17 =	simm.s32 $0x0;
	s5 =	sand.u32 $0x1, s3  }
0x8: {  	s3 =	simm.s32 $0x0;
	s7 =	sshll.u32 s2, $0xA;
	s8 =	sshll.u32 s5, $0x9  }
0x9: {  	[smem:$0x7FF] =	sst s3;
	s5 =	ssub.s32 $0x2, s5;
	s7 =	sor.u32 s8, s7  }
0xa: {  	_ =	strace $0x80000047;
	s31 =	sshrl.u32 s5, $0x1;
	s4 =	sadd.s32 s4, s7  }
0xb: {  	s8 =	ssub.s32 s5, s31;
	s7 =	sshrl.u32 s7, $0x3;
	s5 =	sadd.s32 $0x10000, s4  }
0xc: {  	s6 =	sadd.s32 s6, s7;
	s7 =	smax.u32 s8, $0x1;
	s8 =	simm.s32 $0x8200  }
.LBB2_1:
0xd: {  	[tilespmem:s8], [sflag:$0x3] =	stream.linear.gather [hbm4b:s1+s3], $0x80, $0x38;
	[tilespmem:$0x8280] =	vst v63  }
0xe: {  	_ = 	snop  }
0xf: {  	[tilespmem:s3], [sflag:$0x1] =	stream.strided.gather [hbm4b:s4+s9], $0x4000, s10, s9, $0x38;
	[tilespmem:$0x8280] =	vst v63  }
0x10: {  	_ = 	snop  }
0x11: {  	[tilespmem:s11], [sflag:$0x2] =	stream.strided.gather [hbm4b:s5+s9], $0x4000, s10, s9, $0x38;
	[tilespmem:$0x8280] =	vst v63  }
0x12: {  	_ =	swait.ge [sflag:s12], $0x80  }
0x13: {  	[sflag:s12] =	ssyncset.done $0x0  }
0x14: {  	[sflag:s12] =	ssyncadd.s32 $0xFFFFFF80  }
0x15: {  	_ =	swait.ge [sflag:s13], $0x4000  }
0x16: {  	s18 =	sand.u32 $0x10, s3;
	[sflag:s13] =	ssyncset.done $0x0  }
0x17: {  	s19 =	sand.u32 $0x3000, s3;
	s20 =	sand.u32 $0x380, s3;
	[sflag:s13] =	ssyncadd.s32 $0xFFFFC000  }
0x18: {  	v0 =	vld [tilespmem:s18+$0x8200];
	s18 =	sor.u32 s20, s19  }
0x19: {  	v1 =	vld [tilespmem:s18+$0xC70]  }
0x1a: {  	v2 =	vld [tilespmem:s18+$0x0]  }
0x1b: {  	v3 =	vld [tilespmem:s18+$0x10]  }
0x1c: {  	v4 =	vld [tilespmem:s18+$0x20]  }
0x1d: {  	v5 =	vld [tilespmem:s18+$0x30]  }
0x1e: {  	v6 =	vld [tilespmem:s18+$0x40]  }
0x1f: {  	v7 =	vld [tilespmem:s18+$0x50]  }
0x20: {  	v8 =	vld [tilespmem:s18+$0x60]  }
0x21: {  	v9 =	vld [tilespmem:s18+$0x70]  }
0x22: {  	v10 =	vld [tilespmem:s18+$0x400]  }
0x23: {  	v29 =	vld [tilespmem:s18+$0x870]  }
0x24: {  	v11 =	vmov s3;
	v30 =	vld [tilespmem:s18+$0xC00]  }
0x25: {  	v12 =	vld [tilespmem:s18+$0x410];
	v24 =	vperm.xlane v0, v11  }
0x26: {  	v25 =	vimm.f32 $0.0e+00;
	v13 =	vld [tilespmem:s18+$0x440]  }
0x27: {  	v31 =	vimm.f32 $0.0e+00;
	v15 =	vld [tilespmem:s18+$0x450];
	v1 =	vmul.f32 v1, v24;
	v2 =	vmul.f32 v2, v24  }
0x28: {  	v32 =	vimm.f32 $0.0e+00;
	v26 =	vld [tilespmem:s18+$0x840];
	v3 =	vmul.f32 v3, v24;
	v38 =	vmul.f32 v29, v24  }
0x29: {  	v0 =	vld [tilespmem:s18+$0x420];
	v39 =	vmul.f32 v30, v24;
	v30 =	vimm.f32 $0.0e+00;
	v29 =	vimm.f32 $0.0e+00  }
0x2a: {  	v11 =	vld [tilespmem:s18+$0x430];
	v20 =	vadd.f32 v1, v25;
	v1 =	vmul.f32 v4, v24;
	v4 =	vmul.f32 v5, v24  }
0x2b: {  	v5 =	vld [tilespmem:s18+$0x460];
	v22 =	vadd.f32 v2, v25;
	v19 =	vadd.f32 v3, v25;
	v2 =	vmul.f32 v6, v24  }
0x2c: {  	v6 =	vld [tilespmem:s18+$0x470];
	v3 =	vmul.f32 v9, v24;
	v16 =	vadd.f32 v1, v25;
	v17 =	vadd.f32 v4, v25  }
0x2d: {  	v1 =	vmul.f32 v7, v24;
	v4 =	vld [tilespmem:s18+$0x800];
	v18 =	vadd.f32 v2, v25;
	v2 =	vmul.f32 v8, v24  }
0x2e: {  	v9 =	vmul.f32 v12, v24;
	v12 =	vld [tilespmem:s18+$0x820];
	v0 =	vmul.f32 v0, v24;
	v14 =	vadd.f32 v3, v25  }
0x2f: {  	v21 =	vadd.f32 v1, v25;
	v1 =	vmul.f32 v10, v24;
	v23 =	vadd.f32 v2, v25;
	v2 =	vld [tilespmem:s18+$0x830]  }
0x30: {  	v7 =	vld [tilespmem:s18+$0x810];
	v3 =	vadd.f32 v0, v25;
	v0 =	vmul.f32 v13, v24;
	v10 =	vmul.f32 v15, v24  }
0x31: {  	v28 =	vld [tilespmem:s18+$0x860];
	v9 =	vadd.f32 v9, v25;
	v8 =	vadd.f32 v1, v25;
	v1 =	vmul.f32 v11, v24  }
0x32: {  	v27 =	vld [tilespmem:s18+$0x850];
	v15 =	vadd.f32 v0, v25;
	v10 =	vadd.f32 v10, v25;
	v0 =	vmul.f32 v4, v24  }
0x33: {  	v13 =	vadd.f32 v1, v25;
	v1 =	vmul.f32 v5, v24;
	v5 =	vmul.f32 v6, v24  }
0x34: {  	v6 =	vadd.f32 v0, v25;
	v0 =	vmul.f32 v12, v24;
	v2 =	vmul.f32 v2, v24  }
0x35: {  	v34 =	vld [tilespmem:s18+$0xC10];
	v4 =	vadd.f32 v1, v25;
	v5 =	vadd.f32 v5, v25;
	v1 =	vmul.f32 v7, v24  }
0x36: {  	v36 =	vld [tilespmem:s18+$0xC20];
	v12 =	vadd.f32 v0, v25;
	v7 =	vadd.f32 v2, v25;
	v2 =	vmul.f32 v28, v24  }
0x37: {  	v33 =	vld [tilespmem:s18+$0xC30];
	v11 =	vadd.f32 v1, v25;
	v1 =	vmul.f32 v26, v24;
	v26 =	vmul.f32 v27, v24  }
0x38: {  	s22 =	simm.s32 $0x2;
	s19 =	simm.s32 $0x1;
	v35 =	vld [tilespmem:s18+$0xC40];
	v28 =	vimm.f32 $0.0e+00;
	v27 =	vimm.f32 $0.0e+00;
	v2 =	vadd.f32 v2, v25  }
0x39: {  	s21 =	simm.s32 $0x200;
	s20 =	simm.s32 $0x80;
	s23 =	sand.u32 $0x10, s19;
	v37 =	vld [tilespmem:s18+$0xC50];
	v0 =	vadd.f32 v1, v25;
	v1 =	vadd.f32 v26, v25;
	v26 =	vimm.f32 $0.0e+00  }
.LBB2_2:
0x3a: {  	p0 =	sne.s32 s22, $0x1F;
	v40 =	vld [tilespmem:s23+$0x8200];
	s23 =	sand.u32 $0x3000, s21;
	s24 =	sand.u32 $0x380, s20;
	v25 =	vadd.f32 v38, v25;
	v34 =	vmul.f32 v34, v24  }
0x3b: {  	v31 =	vadd.f32 v39, v31;
	v36 =	vmul.f32 v36, v24;
	v38 =	vld [tilespmem:s18+$0xC60];
	s18 =	sor.u32 s24, s23  }
0x3c: {  	v39 =	vld [tilespmem:s18+$0xC70];
	v32 =	vadd.f32 v34, v32;
	v33 =	vmul.f32 v33, v24  }
0x3d: {  	v34 =	vld [tilespmem:s18+$0x0];
	v30 =	vadd.f32 v36, v30;
	v35 =	vmul.f32 v35, v24  }
0x3e: {  	v36 =	vmov s19;
	s19 =	smov.u32 s22;
	v41 =	vld [tilespmem:s18+$0x10];
	v27 =	vadd.f32 v33, v27;
	v33 =	vmul.f32 v37, v24  }
0x3f: {  	v36 =	vperm.xlane v40, v36;
	v37 =	vld [tilespmem:s18+$0x20];
	v28 =	vadd.f32 v35, v28  }
0x40: {  	v35 =	vld [tilespmem:s18+$0x30];
	v29 =	vadd.f32 v33, v29;
	v33 =	vmul.f32 v38, v24  }
0x41: {  	v38 =	vld [tilespmem:s18+$0x40];
	v39 =	vmul.f32 v39, v36;
	v24 =	vmov v36  }
0x42: {  	v34 =	vmul.f32 v34, v24;
	v36 =	vld [tilespmem:s18+$0x50];
	v26 =	vadd.f32 v33, v26  }
0x43: {  	v33 =	vmul.f32 v41, v24;
	v40 =	vld [tilespmem:s18+$0x60];
	v20 =	vadd.f32 v39, v20  }
0x44: {  	v22 =	vadd.f32 v34, v22;
	v34 =	vmul.f32 v37, v24;
	v37 =	vld [tilespmem:s18+$0x70]  }
0x45: {  	v19 =	vadd.f32 v33, v19;
	v33 =	vmul.f32 v35, v24;
	v35 =	vld [tilespmem:s18+$0x400]  }
0x46: {  	v16 =	vadd.f32 v34, v16;
	v34 =	vmul.f32 v38, v24;
	v38 =	vld [tilespmem:s18+$0x410]  }
0x47: {  	v17 =	vadd.f32 v33, v17;
	v33 =	vmul.f32 v36, v24;
	v36 =	vld [tilespmem:s18+$0x420]  }
0x48: {  	v18 =	vadd.f32 v34, v18;
	v34 =	vmul.f32 v40, v24;
	v39 =	vld [tilespmem:s18+$0x430]  }
0x49: {  	v21 =	vadd.f32 v33, v21;
	v33 =	vmul.f32 v37, v24;
	v37 =	vld [tilespmem:s18+$0x440]  }
0x4a: {  	v23 =	vadd.f32 v34, v23;
	v34 =	vmul.f32 v35, v24;
	v35 =	vld [tilespmem:s18+$0x450]  }
0x4b: {  	v14 =	vadd.f32 v33, v14;
	v33 =	vmul.f32 v38, v24;
	v38 =	vld [tilespmem:s18+$0x460]  }
0x4c: {  	v8 =	vadd.f32 v34, v8;
	v34 =	vmul.f32 v36, v24;
	v36 =	vld [tilespmem:s18+$0x470]  }
0x4d: {  	v9 =	vadd.f32 v33, v9;
	v33 =	vmul.f32 v39, v24;
	v39 =	vld [tilespmem:s18+$0x800]  }
0x4e: {  	v3 =	vadd.f32 v34, v3;
	v34 =	vmul.f32 v37, v24;
	v37 =	vld [tilespmem:s18+$0x810]  }
0x4f: {  	v13 =	vadd.f32 v33, v13;
	v33 =	vmul.f32 v35, v24;
	v35 =	vld [tilespmem:s18+$0x820]  }
0x50: {  	v15 =	vadd.f32 v34, v15;
	v34 =	vmul.f32 v38, v24;
	v38 =	vld [tilespmem:s18+$0x830]  }
0x51: {  	v10 =	vadd.f32 v33, v10;
	v33 =	vmul.f32 v36, v24;
	v36 =	vld [tilespmem:s18+$0x840]  }
0x52: {  	v4 =	vadd.f32 v34, v4;
	v34 =	vmul.f32 v39, v24;
	v39 =	vld [tilespmem:s18+$0x850]  }
0x53: {  	v5 =	vadd.f32 v33, v5;
	v33 =	vmul.f32 v37, v24;
	v37 =	vld [tilespmem:s18+$0x860]  }
0x54: {  	v6 =	vadd.f32 v34, v6;
	v34 =	vmul.f32 v35, v24;
	v35 =	vld [tilespmem:s18+$0x870]  }
0x55: {  	v11 =	vadd.f32 v33, v11;
	v33 =	vmul.f32 v38, v24;
	v40 =	vld [tilespmem:s18+$0xC00]  }
.Ltmp0:
0x56: {  	v12 =	vadd.f32 v34, v12;
	v38 =	vmul.f32 v36, v24;
	v34 =	vld [tilespmem:s18+$0xC10];
	(pc) =	sbr.rel @p0 .LBB2_2-.Ltmp0, $4  }
0x57: {  	v7 =	vadd.f32 v33, v7;
	v39 =	vmul.f32 v39, v24;
	v36 =	vld [tilespmem:s18+$0xC20]  }
0x58: {  	v0 =	vadd.f32 v38, v0;
	v37 =	vmul.f32 v37, v24;
	v33 =	vld [tilespmem:s18+$0xC30]  }
0x59: {  	s20 =	sadd.s32 $0x80, s20;
	v1 =	vadd.f32 v39, v1;
	v38 =	vmul.f32 v35, v24;
	v35 =	vld [tilespmem:s18+$0xC40]  }
0x5a: {  	s21 =	sadd.s32 $0x200, s21;
	s22 =	sadd.s32 $0x1, s22;
	s23 =	sand.u32 $0x10, s19;
	v2 =	vadd.f32 v37, v2;
	v39 =	vmul.f32 v40, v24;
	v37 =	vld [tilespmem:s18+$0xC50]  }
0x5b: {  	v40 =	vld [tilespmem:s23+$0x8200];
	s21 =	sand.u32 $0x3000, s21;
	s20 =	sand.u32 $0x380, s20  }
0x5c: {  	v41 =	vld [tilespmem:s18+$0xC60];
	s20 =	sor.u32 s20, s21  }
0x5d: {  	v42 =	vld [tilespmem:s20+$0xC70]  }
0x5e: {  	v43 =	vld [tilespmem:s20+$0x0]  }
0x5f: {  	v44 =	vld [tilespmem:s20+$0x10]  }
0x60: {  	v45 =	vld [tilespmem:s20+$0x20]  }
0x61: {  	v46 =	vld [tilespmem:s20+$0x30]  }
0x62: {  	v47 =	vld [tilespmem:s20+$0x40]  }
0x63: {  	v48 =	vld [tilespmem:s20+$0x50]  }
0x64: {  	v63 =	vld [tilespmem:s20+$0x840]  }
0x65: {  	v49 =	vld [tilespmem:s20+$0x60]  }
0x66: {  	v50 =	vld [tilespmem:s20+$0x70]  }
0x67: {  	v51 =	vld [tilespmem:s20+$0x400]  }
0x68: {  	v52 =	vld [tilespmem:s20+$0x410]  }
0x69: {  	[tilespmem:$0x1FFC0] =	vst v63;
	v63 =	vld [tilespmem:s20+$0x850]  }
0x6a: {  	v53 =	vld [tilespmem:s20+$0x420]  }
0x6b: {  	v54 =	vld [tilespmem:s20+$0x430]  }
0x6c: {  	v55 =	vld [tilespmem:s20+$0x440]  }
0x6d: {  	v56 =	vld [tilespmem:s20+$0x450]  }
0x6e: {  	[tilespmem:$0x1FFD0] =	vst v63;
	v63 =	vld [tilespmem:s20+$0x860]  }
0x6f: {  	v57 =	vld [tilespmem:s20+$0x460]  }
0x70: {  	v58 =	vld [tilespmem:s20+$0x470]  }
0x71: {  	v59 =	vld [tilespmem:s20+$0x800]  }
0x72: {  	v25 =	vadd.f32 v38, v25;
	v34 =	vmul.f32 v34, v24;
	v31 =	vadd.f32 v39, v31;
	v60 =	vld [tilespmem:s20+$0x810]  }
0x73: {  	v36 =	vmul.f32 v36, v24;
	v61 =	vld [tilespmem:s20+$0x820];
	v33 =	vmul.f32 v33, v24;
	[tilespmem:$0x1FFE0] =	vst v63;
	v63 =	vmov s19  }
0x74: {  	v62 =	vld [tilespmem:s20+$0x830];
	v32 =	vadd.f32 v34, v32;
	v35 =	vmul.f32 v35, v24;
	v34 =	vperm.xlane v40, v63  }
0x75: {  	v38 =	vld [tilespmem:s20+$0x870];
	v30 =	vadd.f32 v36, v30;
	v36 =	vmul.f32 v37, v24;
	v24 =	vmul.f32 v41, v24  }
0x76: {  	[tilespmem:$0x1FFF0] =	vst v25;
	v25 =	vld [tilespmem:s20+$0xC00];
	v27 =	vadd.f32 v33, v27;
	v63 =	vmul.f32 v42, v34;
	v43 =	vmul.f32 v43, v34  }
0x77: {  	v39 =	vld [tilespmem:s20+$0xC10];
	v24 =	vadd.f32 v24, v26;
	v26 =	vmul.f32 v44, v34;
	v45 =	vmul.f32 v45, v34  }
0x78: {  	v37 =	vld [tilespmem:s20+$0xC20];
	v28 =	vadd.f32 v35, v28;
	v46 =	vmul.f32 v46, v34;
	v49 =	vmul.f32 v49, v34  }
0x79: {  	v33 =	vld [tilespmem:s20+$0xC50];
	v29 =	vadd.f32 v36, v29;
	v48 =	vmul.f32 v48, v34;
	v52 =	vmul.f32 v52, v34  }
0x7a: {  	v36 =	vld [tilespmem:s20+$0xC40];
	v19 =	vadd.f32 v26, v19;
	v26 =	vmul.f32 v47, v34;
	v35 =	vadd.f32 v49, v23  }
0x7b: {  	v40 =	vld [tilespmem:s20+$0xC30];
	v23 =	vmul.f32 v51, v34;
	v41 =	vadd.f32 v52, v9;
	v9 =	vmul.f32 v58, v34  }
0x7c: {  	s29 =	simm.s32 $0x1000;
	s30 =	simm.s32 $0x4000;
	v42 =	vld [tilespmem:s20+$0xC60];
	_ =	swait.ge [sflag:s14], $0x4000;
	v20 =	vadd.f32 v63, v20;
	v18 =	vadd.f32 v26, v18;
	v26 =	vmul.f32 v50, v34  }
0x7d: {  	s18 =	sand.u32 $0x380, s29;
	s20 =	sand.u32 $0x7000, s30;
	[sflag:s14] =	ssyncset.done $0x0;
	v44 =	vadd.f32 v23, v8;
	v8 =	vmul.f32 v55, v34;
	v49 =	vadd.f32 v9, v5;
	v5 =	vld [tilespmem:$0x1FFD0]  }
0x7e: {  	s18 =	sor.u32 s18, s20;
	v22 =	vadd.f32 v43, v22;
	[sflag:s14] =	ssyncadd.s32 $0xFFFFC000;
	v14 =	vadd.f32 v26, v14;
	v26 =	vmul.f32 v53, v34  }
0x7f: {  	v16 =	vadd.f32 v45, v16;
	v43 =	vld [tilespmem:s18+$0x0];
	v15 =	vadd.f32 v8, v15;
	v8 =	vmul.f32 v57, v34  }
0x80: {  	v17 =	vadd.f32 v46, v17;
	v63 =	vld [tilespmem:s18+$0x10];
	v45 =	vadd.f32 v26, v3;
	v3 =	vmul.f32 v56, v34  }
0x81: {  	v21 =	vadd.f32 v48, v21;
	v46 =	vld [tilespmem:s18+$0x30];
	v48 =	vadd.f32 v8, v4;
	v4 =	vmul.f32 v61, v34  }
0x82: {  	v52 =	vld [tilespmem:s18+$0x40];
	v5 =	vmul.f32 v5, v34;
	v10 =	vadd.f32 v3, v10;
	v3 =	vmul.f32 v59, v34  }
0x83: {  	v60 =	vmul.f32 v60, v34;
	v12 =	vadd.f32 v4, v12;
	v4 =	vld [tilespmem:$0x1FFC0]  }
0x84: {  	v55 =	vadd.f32 v5, v1;
	v1 =	vld [tilespmem:$0x1FFF0];
	v51 =	vadd.f32 v3, v6;
	v3 =	vmul.f32 v62, v34  }
0x85: {  	v11 =	vadd.f32 v60, v11;
	v60 =	vld [tilespmem:s18+$0x410]  }
0x86: {  	s28 =	simm.s32 $0x20;
	v53 =	vadd.f32 v3, v7;
	v3 =	vld [tilespmem:$0x1FFE0]  }
0x87: {  	s31 =	sand.u32 $0x30, s28;
	v54 =	vmul.f32 v54, v34;
	v47 =	vld [tilespmem:s18+$0x470];
	v6 =	vmul.f32 v38, v34  }
0x88: {  	v23 =	vld [tilespmem:s31+$0x8200];
	v4 =	vmul.f32 v4, v34  }
0x89: {  	v13 =	vadd.f32 v54, v13;
	v50 =	vld [tilespmem:s18+$0x20];
	v9 =	vadd.f32 v6, v1  }
0x8a: {  	v57 =	vld [tilespmem:s18+$0x70];
	v1 =	vmul.f32 v39, v34;
	v54 =	vadd.f32 v4, v0;
	v0 =	vmul.f32 v25, v34  }
0x8b: {  	v26 =	vld [tilespmem:s18+$0xC70];
	v3 =	vmul.f32 v3, v34  }
0x8c: {  	v61 =	vld [tilespmem:s18+$0x420];
	v7 =	vadd.f32 v1, v32;
	v1 =	vmul.f32 v33, v34;
	v8 =	vadd.f32 v0, v31  }
0x8d: {  	v59 =	vld [tilespmem:s18+$0x850];
	v0 =	vmul.f32 v37, v34;
	v56 =	vadd.f32 v3, v2;
	v3 =	vmov s28  }
0x8e: {  	v38 =	vld [tilespmem:s18+$0x50];
	v2 =	vmul.f32 v40, v34;
	v3 =	vperm.xlane v23, v3  }
0x8f: {  	v62 =	vld [tilespmem:s18+$0x440];
	v4 =	vmul.f32 v36, v34;
	v6 =	vadd.f32 v0, v30;
	v0 =	vmul.f32 v42, v34  }
0x90: {  	v25 =	vld [tilespmem:s18+$0x60];
	v5 =	vadd.f32 v2, v27;
	v2 =	vadd.f32 v1, v29;
	v23 =	vmul.f32 v26, v3  }
0x91: {  	v31 =	vld [tilespmem:s18+$0x400];
	v1 =	vadd.f32 v0, v24;
	v24 =	vmul.f32 v43, v3;
	v26 =	vmul.f32 v63, v3  }
0x92: {  	v27 =	vld [tilespmem:s18+$0x430];
	v0 =	vadd.f32 v23, v20;
	v20 =	vmul.f32 v50, v3;
	v23 =	vmul.f32 v46, v3  }
0x93: {  	v63 =	vld [tilespmem:s18+$0x450];
	v32 =	vadd.f32 v24, v22;
	v29 =	vadd.f32 v26, v19;
	v19 =	vmul.f32 v52, v3  }
0x94: {  	v46 =	vld [tilespmem:s18+$0x460];
	v30 =	vadd.f32 v20, v16;
	v23 =	vadd.f32 v23, v17;
	v16 =	vmul.f32 v38, v3  }
0x95: {  	v17 =	vld [tilespmem:s18+$0x800];
	v24 =	vadd.f32 v19, v18;
	v18 =	vmul.f32 v25, v3;
	v19 =	vmul.f32 v57, v3  }
0x96: {  	v4 =	vadd.f32 v4, v28;
	v50 =	vld [tilespmem:s18+$0x810];
	v20 =	vmul.f32 v60, v3;
	v28 =	vadd.f32 v16, v21  }
0x97: {  	v57 =	vld [tilespmem:s18+$0x830];
	v16 =	vmul.f32 v31, v3;
	v31 =	vadd.f32 v18, v35;
	v25 =	vadd.f32 v19, v14  }
0x98: {  	v52 =	vld [tilespmem:s18+$0x820];
	v14 =	vmul.f32 v61, v3;
	v18 =	vadd.f32 v20, v41;
	v20 =	vmul.f32 v63, v3  }
0x99: {  	v34 =	vmul.f32 v59, v3;
	v60 =	vld [tilespmem:s18+$0x860];
	v26 =	vadd.f32 v16, v44;
	v16 =	vmul.f32 v27, v3  }
0x9a: {  	v58 =	vld [tilespmem:s18+$0x840];
	v19 =	vadd.f32 v14, v45;
	v20 =	vadd.f32 v20, v10;
	v10 =	vmul.f32 v17, v3  }
0x9b: {  	v61 =	vld [tilespmem:s18+$0x870];
	v14 =	vmul.f32 v62, v3;
	v22 =	vadd.f32 v16, v13;
	v13 =	vmul.f32 v46, v3  }
0x9c: {  	v62 =	vld [tilespmem:s18+$0xC00];
	v33 =	vmul.f32 v57, v3;
	v16 =	vmul.f32 v47, v3;
	v17 =	vadd.f32 v10, v51  }
0x9d: {  	v37 =	vld [tilespmem:s18+$0xC10];
	v10 =	vmul.f32 v52, v3;
	v21 =	vadd.f32 v13, v48;
	v13 =	vmul.f32 v50, v3  }
0x9e: {  	v36 =	vld [tilespmem:s18+$0xC20];
	v63 =	vmul.f32 v60, v3;
	v27 =	vadd.f32 v14, v15;
	v16 =	vadd.f32 v16, v49  }
0x9f: {  	v35 =	vld [tilespmem:s18+$0xC30];
	v15 =	vadd.f32 v10, v12;
	v14 =	vadd.f32 v13, v11;
	v11 =	vmul.f32 v58, v3  }
0xa0: {  	s22 =	simm.s32 $0x4200;
	s19 =	simm.s32 $0x21;
	v39 =	vmul.f32 v61, v3;
	v12 =	vadd.f32 v33, v53;
	v10 =	vadd.f32 v34, v55;
	v33 =	vld [tilespmem:s18+$0xC40]  }
0xa1: {  	s21 =	simm.s32 $0x22;
	s23 =	sand.u32 $0x30, s19;
	s20 =	simm.s32 $0x1080;
	v40 =	vmul.f32 v62, v3;
	v34 =	vld [tilespmem:s18+$0xC50];
	v13 =	vadd.f32 v11, v54;
	v11 =	vadd.f32 v63, v56  }
.LBB2_4:
0xa2: {  	p0 =	sne.s32 s21, $0x3F;
	v38 =	vld [tilespmem:s23+$0x8200];
	s23 =	sand.u32 $0x7000, s22;
	s24 =	sand.u32 $0x380, s20;
	v9 =	vadd.f32 v39, v9;
	v37 =	vmul.f32 v37, v3  }
0xa3: {  	v8 =	vadd.f32 v40, v8;
	v36 =	vmul.f32 v36, v3;
	v39 =	vld [tilespmem:s18+$0xC60];
	s18 =	sor.u32 s24, s23  }
0xa4: {  	v40 =	vld [tilespmem:s18+$0xC70];
	v7 =	vadd.f32 v37, v7;
	v35 =	vmul.f32 v35, v3  }
0xa5: {  	v37 =	vld [tilespmem:s18+$0x0];
	v6 =	vadd.f32 v36, v6;
	v33 =	vmul.f32 v33, v3  }
0xa6: {  	v36 =	vmov s19;
	s19 =	smov.u32 s21;
	v41 =	vld [tilespmem:s18+$0x10];
	v5 =	vadd.f32 v35, v5;
	v34 =	vmul.f32 v34, v3  }
0xa7: {  	v35 =	vperm.xlane v38, v36;
	v36 =	vld [tilespmem:s18+$0x20];
	v4 =	vadd.f32 v33, v4  }
0xa8: {  	v33 =	vld [tilespmem:s18+$0x30];
	v2 =	vadd.f32 v34, v2;
	v34 =	vmul.f32 v39, v3  }
0xa9: {  	v38 =	vld [tilespmem:s18+$0x40];
	v39 =	vmul.f32 v40, v35;
	v3 =	vmov v35  }
0xaa: {  	v35 =	vmul.f32 v37, v3;
	v37 =	vld [tilespmem:s18+$0x50];
	v1 =	vadd.f32 v34, v1  }
0xab: {  	v34 =	vmul.f32 v41, v3;
	v40 =	vld [tilespmem:s18+$0x60];
	v0 =	vadd.f32 v39, v0  }
0xac: {  	v32 =	vadd.f32 v35, v32;
	v35 =	vmul.f32 v36, v3;
	v36 =	vld [tilespmem:s18+$0x70]  }
0xad: {  	v29 =	vadd.f32 v34, v29;
	v33 =	vmul.f32 v33, v3;
	v34 =	vld [tilespmem:s18+$0x400]  }
0xae: {  	v30 =	vadd.f32 v35, v30;
	v35 =	vmul.f32 v38, v3;
	v38 =	vld [tilespmem:s18+$0x410]  }
0xaf: {  	v23 =	vadd.f32 v33, v23;
	v33 =	vmul.f32 v37, v3;
	v37 =	vld [tilespmem:s18+$0x420]  }
0xb0: {  	v24 =	vadd.f32 v35, v24;
	v35 =	vmul.f32 v40, v3;
	v39 =	vld [tilespmem:s18+$0x430]  }
0xb1: {  	v28 =	vadd.f32 v33, v28;
	v33 =	vmul.f32 v36, v3;
	v36 =	vld [tilespmem:s18+$0x440]  }
0xb2: {  	v31 =	vadd.f32 v35, v31;
	v34 =	vmul.f32 v34, v3;
	v35 =	vld [tilespmem:s18+$0x450]  }
0xb3: {  	v25 =	vadd.f32 v33, v25;
	v33 =	vmul.f32 v38, v3;
	v38 =	vld [tilespmem:s18+$0x460]  }
0xb4: {  	v26 =	vadd.f32 v34, v26;
	v34 =	vmul.f32 v37, v3;
	v37 =	vld [tilespmem:s18+$0x470]  }
0xb5: {  	v18 =	vadd.f32 v33, v18;
	v33 =	vmul.f32 v39, v3;
	v39 =	vld [tilespmem:s18+$0x800]  }
0xb6: {  	v19 =	vadd.f32 v34, v19;
	v34 =	vmul.f32 v36, v3;
	v36 =	vld [tilespmem:s18+$0x810]  }
0xb7: {  	v22 =	vadd.f32 v33, v22;
	v33 =	vmul.f32 v35, v3;
	v35 =	vld [tilespmem:s18+$0x820]  }
0xb8: {  	v27 =	vadd.f32 v34, v27;
	v34 =	vmul.f32 v38, v3;
	v38 =	vld [tilespmem:s18+$0x830]  }
0xb9: {  	v20 =	vadd.f32 v33, v20;
	v33 =	vmul.f32 v37, v3;
	v37 =	vld [tilespmem:s18+$0x840]  }
0xba: {  	v21 =	vadd.f32 v34, v21;
	v34 =	vmul.f32 v39, v3;
	v39 =	vld [tilespmem:s18+$0x850]  }
0xbb: {  	v16 =	vadd.f32 v33, v16;
	v33 =	vmul.f32 v36, v3;
	v40 =	vld [tilespmem:s18+$0x860]  }
0xbc: {  	v17 =	vadd.f32 v34, v17;
	v34 =	vmul.f32 v35, v3;
	v41 =	vld [tilespmem:s18+$0x870]  }
0xbd: {  	v14 =	vadd.f32 v33, v14;
	v33 =	vmul.f32 v38, v3;
	v38 =	vld [tilespmem:s18+$0xC00]  }
.Ltmp1:
0xbe: {  	v15 =	vadd.f32 v34, v15;
	v34 =	vmul.f32 v37, v3;
	v37 =	vld [tilespmem:s18+$0xC10];
	(pc) =	sbr.rel @p0 .LBB2_4-.Ltmp1, $4  }
0xbf: {  	v12 =	vadd.f32 v33, v12;
	v33 =	vmul.f32 v39, v3;
	v36 =	vld [tilespmem:s18+$0xC20]  }
0xc0: {  	v13 =	vadd.f32 v34, v13;
	v34 =	vmul.f32 v40, v3;
	v35 =	vld [tilespmem:s18+$0xC30]  }
0xc1: {  	s20 =	sadd.s32 $0x80, s20;
	v10 =	vadd.f32 v33, v10;
	v39 =	vmul.f32 v41, v3;
	v33 =	vld [tilespmem:s18+$0xC40]  }
0xc2: {  	s22 =	sadd.s32 $0x200, s22;
	s21 =	sadd.s32 $0x1, s21;
	s23 =	sand.u32 $0x30, s19;
	v11 =	vadd.f32 v34, v11;
	v40 =	vmul.f32 v38, v3;
	v34 =	vld [tilespmem:s18+$0xC50]  }
0xc3: {  	v41 =	vld [tilespmem:s23+$0x8200];
	s21 =	sand.u32 $0x7000, s22;
	s20 =	sand.u32 $0x380, s20  }
0xc4: {  	v38 =	vld [tilespmem:s18+$0xC60];
	s20 =	sor.u32 s20, s21  }
0xc5: {  	v63 =	vld [tilespmem:s20+$0xC70]  }
0xc6: {  	v43 =	vld [tilespmem:s20+$0x0]  }
0xc7: {  	v44 =	vld [tilespmem:s20+$0x10]  }
0xc8: {  	v45 =	vld [tilespmem:s20+$0x20]  }
0xc9: {  	v46 =	vld [tilespmem:s20+$0x30]  }
0xca: {  	v47 =	vld [tilespmem:s20+$0x40]  }
0xcb: {  	v48 =	vld [tilespmem:s20+$0x50]  }
0xcc: {  	v49 =	vld [tilespmem:s20+$0x60]  }
0xcd: {  	v50 =	vld [tilespmem:s20+$0x70]  }
0xce: {  	v42 =	vld [tilespmem:s20+$0x850];
	[tilespmem:$0x1FF90] =	vst v38;
	v38 =	vmov s19  }
0xcf: {  	v38 =	vperm.xlane v41, v38;
	v41 =	vld [tilespmem:s20+$0xC10]  }
0xd0: {  	v51 =	vld [tilespmem:s20+$0x400]  }
0xd1: {  	v52 =	vld [tilespmem:s20+$0x410]  }
0xd2: {  	v53 =	vld [tilespmem:s20+$0x420]  }
0xd3: {  	[tilespmem:$0x1FF20] =	vst v42;
	v42 =	vld [tilespmem:s20+$0x860]  }
0xd4: {  	[tilespmem:$0x1FF60] =	vst v41;
	v41 =	vld [tilespmem:s20+$0xC20]  }
0xd5: {  	v54 =	vld [tilespmem:s20+$0x430]  }
0xd6: {  	v55 =	vld [tilespmem:s20+$0x440]  }
0xd7: {  	v56 =	vld [tilespmem:s20+$0x450]  }
0xd8: {  	[tilespmem:$0x1FF30] =	vst v42;
	v42 =	vld [tilespmem:s20+$0x870]  }
0xd9: {  	[tilespmem:$0x1FF70] =	vst v41;
	v41 =	vld [tilespmem:s20+$0xC30]  }
0xda: {  	v57 =	vld [tilespmem:s20+$0x460]  }
0xdb: {  	v58 =	vld [tilespmem:s20+$0x470]  }
0xdc: {  	v59 =	vld [tilespmem:s20+$0x800]  }
0xdd: {  	[tilespmem:$0x1FF40] =	vst v42;
	v42 =	vld [tilespmem:s20+$0xC00]  }
0xde: {  	[tilespmem:$0x1FF80] =	vst v41;
	v41 =	vld [tilespmem:s20+$0xC40]  }
0xdf: {  	v60 =	vld [tilespmem:s20+$0x810];
	v43 =	vmul.f32 v43, v38  }
0xe0: {  	v61 =	vld [tilespmem:s20+$0x820]  }
0xe1: {  	v62 =	vld [tilespmem:s20+$0x830];
	[tilespmem:$0x1FFB0] =	vst v63;
	v44 =	vmul.f32 v44, v38;
	v32 =	vadd.f32 v43, v32;
	v43 =	vmul.f32 v45, v38  }
0xe2: {  	v63 =	vld [tilespmem:s20+$0x840];
	[tilespmem:$0x1FF50] =	vst v42  }
0xe3: {  	v45 =	vld [tilespmem:s20+$0xC50];
	v29 =	vadd.f32 v44, v29;
	v30 =	vadd.f32 v43, v30;
	v43 =	vmul.f32 v47, v38;
	[tilespmem:$0x1FFA0] =	vst v41  }
0xe4: {  	v47 =	vmul.f32 v48, v38;
	v41 =	vmul.f32 v46, v38;
	v46 =	vld [tilespmem:s20+$0xC60];
	[tilespmem:$0x8000] =	vst v32  }
0xe5: {  	v48 =	vmul.f32 v49, v38;
	v24 =	vadd.f32 v43, v24;
	[tilespmem:$0x8010] =	vst v29  }
0xe6: {  	v52 =	vmul.f32 v52, v38;
	v28 =	vadd.f32 v47, v28;
	[tilespmem:$0x8020] =	vst v30  }
0xe7: {  	v53 =	vmul.f32 v53, v38;
	v49 =	vmul.f32 v50, v38;
	v50 =	vadd.f32 v48, v31;
	[tilespmem:$0x8040] =	vst v24  }
0xe8: {  	v54 =	vmul.f32 v54, v38;
	v18 =	vadd.f32 v52, v18;
	[tilespmem:$0x8050] =	vst v28  }
0xe9: {  	v19 =	vadd.f32 v53, v19;
	v31 =	vmul.f32 v59, v38;
	[tilespmem:$0x8060] =	vst v50  }
0xea: {  	v22 =	vadd.f32 v54, v22;
	v42 =	vmul.f32 v62, v38;
	[tilespmem:$0x8090] =	vst v18  }
0xeb: {  	v44 =	vmul.f32 v63, v38;
	v17 =	vadd.f32 v31, v17;
	[tilespmem:$0x80A0] =	vst v19  }
0xec: {  	v51 =	vmul.f32 v51, v38;
	v12 =	vadd.f32 v42, v12;
	[tilespmem:$0x80B0] =	vst v22  }
0xed: {  	v55 =	vmul.f32 v55, v38;
	v13 =	vadd.f32 v44, v13;
	[tilespmem:$0x8100] =	vst v17  }
0xee: {  	v47 =	vld [tilespmem:$0x1FF20];
	v24 =	vadd.f32 v51, v26;
	[tilespmem:$0x8130] =	vst v12  }
0xef: {  	v53 =	vld [tilespmem:$0x1FF60];
	v26 =	vmul.f32 v56, v38;
	v28 =	vadd.f32 v55, v27;
	[tilespmem:$0x8140] =	vst v13  }
0xf0: {  	v29 =	vmul.f32 v57, v38;
	v23 =	vadd.f32 v41, v23;
	[tilespmem:$0x8080] =	vst v24  }
0xf1: {  	v9 =	vadd.f32 v39, v9;
	v30 =	vmul.f32 v58, v38;
	v18 =	vadd.f32 v26, v20;
	[tilespmem:$0x80C0] =	vst v28  }
0xf2: {  	v39 =	vmul.f32 v37, v3;
	v52 =	vld [tilespmem:$0x1FF50];
	v32 =	vmul.f32 v60, v38;
	v19 =	vadd.f32 v29, v21;
	[tilespmem:$0x8030] =	vst v23  }
0xf3: {  	v54 =	vmul.f32 v34, v3;
	v17 =	vmul.f32 v47, v38;
	v50 =	vld [tilespmem:$0x1FF40];
	v16 =	vadd.f32 v30, v16;
	[tilespmem:$0x80D0] =	vst v18  }
0xf4: {  	v7 =	vadd.f32 v39, v7;
	v13 =	vmul.f32 v53, v38;
	v55 =	vld [tilespmem:$0x1FF70];
	v14 =	vadd.f32 v32, v14;
	[tilespmem:$0x80E0] =	vst v19  }
0xf5: {  	v2 =	vadd.f32 v54, v2;
	v57 =	vld [tilespmem:$0x1FF90];
	v60 =	vmul.f32 v45, v38;
	v10 =	vadd.f32 v17, v10;
	[tilespmem:$0x80F0] =	vst v16  }
0xf6: {  	v41 =	vmul.f32 v61, v38;
	v7 =	vadd.f32 v13, v7;
	v23 =	vadd.f32 v49, v25;
	[tilespmem:$0x8110] =	vst v14;
	v49 =	vld [tilespmem:$0x1FF30]  }
0xf7: {  	v43 =	vmul.f32 v36, v3;
	v2 =	vadd.f32 v60, v2;
	[tilespmem:$0x8150] =	vst v10  }
0xf8: {  	v8 =	vadd.f32 v40, v8;
	v63 =	vld [tilespmem:$0x1FFB0];
	v15 =	vadd.f32 v41, v15;
	v16 =	vmul.f32 v52, v38;
	[tilespmem:$0x8190] =	vst v7  }
0xf9: {  	v6 =	vadd.f32 v43, v6;
	v59 =	vld [tilespmem:$0x1FFA0];
	[tilespmem:$0x81D0] =	vst v2;
	v14 =	vmul.f32 v55, v38  }
0xfa: {  	v56 =	vld [tilespmem:$0x1FF80];
	v58 =	vmul.f32 v57, v3;
	[tilespmem:$0x8120] =	vst v15;
	v15 =	vmul.f32 v50, v38;
	v8 =	vadd.f32 v16, v8  }
0xfb: {  	v51 =	vmul.f32 v33, v3;
	[tilespmem:$0x8070] =	vst v23;
	v6 =	vadd.f32 v14, v6;
	v18 =	vmul.f32 v49, v38  }
0xfc: {  	v62 =	vmul.f32 v46, v38;
	v1 =	vadd.f32 v58, v1;
	v9 =	vadd.f32 v15, v9;
	[tilespmem:$0x8180] =	vst v8  }
0xfd: {  	v48 =	vmul.f32 v35, v3;
	[tilespmem:$0x81A0] =	vst v6;
	v6 =	vmul.f32 v63, v38;
	v11 =	vadd.f32 v18, v11  }
0xfe: {  	v4 =	vadd.f32 v51, v4;
	v1 =	vadd.f32 v62, v1;
	[tilespmem:$0x8170] =	vst v9;
	v9 =	vmul.f32 v59, v38  }
0xff: {  	v5 =	vadd.f32 v48, v5;
	v0 =	vadd.f32 v6, v0;
	[tilespmem:$0x8160] =	vst v11;
	v11 =	vmul.f32 v56, v38  }
0x100: {  	[tilespmem:$0x81E0] =	vst v1;
	v61 =	vadd.f32 v9, v4  }
0x101: {  	s17 =	sadd.s32 $0x1, s17;
	[tilespmem:$0x81F0] =	vst v0;
	v5 =	vadd.f32 v11, v5  }
0x102: {  	p0 =	sne.s32 s17, s7;
	[tilespmem:$0x81C0] =	vst v61  }
.Ltmp2:
0x103: {  	[tilespmem:$0x81B0] =	vst v5;
	(pc) =	sbr.rel @p0 .LBB2_1-.Ltmp2, $4  }
0x104: {  	[hbm4b:s6+s3] =	stream.linear.scatter [tilespmem:s15], [sflag:$0x4], $0x200, $0x38;
	[tilespmem:$0x8280] =	vst v63  }
0x105: {  	_ =	swait.ge [sflag:s16], $0x200  }
0x106: {  	[sflag:s16] =	ssyncset.done $0x0  }
0x107: {  	[sflag:s16] =	ssyncadd.s32 $0xFFFFFE00  }
0x108: {  	_ =	sfence.sel $0x180000  }
0x109: {  	[bflag:$0x0] =	sbarrier.arrive $0xFFFF  }
0x10a: {  	p0 =	sne.s32 s2, $0x0;
	_ =	strace $0x90000047  }
0x10b: {  	s0 =	sadd.s32 @!p0 $0x100000, s0;
	[bflag:$0x2] =	sbarrier.arrive $0xFFFF  }
0x10c: {  	[sflag:s0] =	ssyncadd.tile.s32 @!p0 $0x1;
	_ =	shalt  }
.Lfunc_end2:
_tile_overlayer_lowered:
.L_overlay_start_2:
0x10d: {  	(tag) =	ssettag $0x2  }
0x10e: {  	s0 =	rddreg [dreg:$0x0];
	s2 =	stileid.u32  }
0x10f: {  	s1 =	rddreg [dreg:$0x1];
	p0 =	sne.s32 s2, $0x0  }
0x110: {  	s3 =	rddreg [dreg:$0x2];
	[bflag:$0x3] =	sbarrier.arrive $0xFFFF;
	s2 =	simm.s32 @!p0 $0x1C04  }
0x111: {  	[timem:s3], [sflag:s2] =	dma.local @!p0 [hbm:s0], s1  }
0x112: {  	s0 =	simm.s32 @!p0 $0x4  }
0x113: {  	_ =	swait.ge @!p0 [sflag:s0], s1  }
0x114: {  	s1 =	ssub.s32 @!p0 $0x0, s1;
	[sflag:s0] =	ssyncset.done @!p0 $0x0  }
0x115: {  	[sflag:s0] =	ssyncadd.s32 @!p0 s1  }
0x116: {  	[bflag:$0x3] =	sbarrier.arrive $0xFFFF  }
0x117: {  	_ =	shalt  }

</sc_bundles>
